<compile_context>
chip_gen: v7x
topology: tpu7x:2x2x1
jax: 0.10.2.dev20260603
libtpu: 0.0.44.dev20260713+nightly
codegen_flags: <defaults>
</compile_context>

<pallas_src>
import functools
import jax
import jax.numpy as jnp
from jax import lax
from jax.experimental import pallas as pl
from jax.experimental.pallas import tpu as pltpu
from jax.experimental.pallas import tpu_sc as plsc

_F = 128
_NC = 2
_NS = 16
_NW = _NC * _NS
_C = 128
_G = 8
_NP = 10240


@functools.partial(jax.jit, static_argnames=("cpw",))
def _degree(dst2d, ew2d, cpw):
    mesh = plsc.VectorSubcoreMesh(
        core_axis_name="c", subcore_axis_name="s", num_cores=_NC
    )
    ept = _NP // _NS

    @functools.partial(
        pl.kernel,
        out_type=jax.ShapeDtypeStruct((_NC, _NP), jnp.float32),
        mesh=mesh,
        scratch_types=[
            pltpu.VMEM((ept,), jnp.float32),
            pltpu.VMEM((_G, _C), jnp.int32),
            pltpu.VMEM((_G, _C), jnp.float32),
            pltpu.VMEM_SHARED((_NP,), jnp.float32),
            pltpu.SemaphoreType.DMA,
        ],
    )
    def deg_kernel(dst_hbm, ew_hbm, deg_hbm, zero_v, dst_v, ew_v, deg_sp, sem):
        c = lax.axis_index("c")
        s = lax.axis_index("s")
        wid = c * _NS + s

        zeros16 = jnp.zeros((16,), jnp.float32)
        for i in range(ept // 16):
            zero_v[pl.ds(i * 16, 16)] = zeros16
        tslice = pl.ds(s * ept, ept)
        pltpu.sync_copy(zero_v, deg_sp.at[tslice])
        plsc.subcore_barrier()

        def group_body(gg, carry):
            base = wid * cpw + gg * _G
            pltpu.sync_copy(dst_hbm.at[pl.ds(base, _G)], dst_v)
            pltpu.sync_copy(ew_hbm.at[pl.ds(base, _G)], ew_v)
            descs = [
                pltpu.async_copy(
                    ew_v.at[k], deg_sp.at[dst_v.at[k]], sem, add=True
                )
                for k in range(_G)
            ]
            for d in descs:
                d.wait()
            return carry

        lax.fori_loop(0, cpw // _G, group_body, 0)
        plsc.subcore_barrier()
        pltpu.sync_copy(deg_sp.at[tslice], deg_hbm.at[c, tslice])

    return deg_kernel(dst2d, ew2d)


@functools.partial(jax.jit, static_argnames=("cpw",))
def _edge_aggregate(y, src2d, dst2d, ew2d, cpw):
    mesh = plsc.VectorSubcoreMesh(
        core_axis_name="c", subcore_axis_name="s", num_cores=_NC
    )
    rpt = _NP // _NS

    @functools.partial(
        pl.kernel,
        out_type=jax.ShapeDtypeStruct((_NC, _NP, _F), jnp.float32),
        mesh=mesh,
        scratch_types=[
            pltpu.VMEM((_C, _F), jnp.float32),
            pltpu.VMEM((_C, _F), jnp.float32),
            pltpu.VMEM((_G, _C), jnp.int32),
            pltpu.VMEM((_G, _C), jnp.int32),
            pltpu.VMEM((_G, _C), jnp.float32),
            pltpu.VMEM_SHARED((_NP, _F), jnp.float32),
            pltpu.SemaphoreType.DMA,
            pltpu.SemaphoreType.DMA,
        ],
    )
    def edge_kernel(y_hbm, src_hbm, dst_hbm, ew_hbm, z_hbm,
                    rows0_v, rows1_v, src_v, dst_v, ew_v, z_sp,
                    gsem, ssem):
        c = lax.axis_index("c")
        s = lax.axis_index("s")
        wid = c * _NS + s

        zeros16 = jnp.zeros((16,), jnp.float32)

        def zero_row(i, carry):
            for j in range(_F // 16):
                rows0_v[i, pl.ds(j * 16, 16)] = zeros16
            return carry

        lax.fori_loop(0, _C, zero_row, 0)
        for k in range(rpt // _C):
            pltpu.sync_copy(rows0_v, z_sp.at[pl.ds(s * rpt + k * _C, _C)])
        plsc.subcore_barrier()

        bufs = (rows0_v, rows1_v)

        def scale_chunk(buf, k):
            def scale_group(t, carry2):
                wv = ew_v[k, pl.ds(t * 16, 16)]
                for i in range(16):
                    w = wv[i]
                    e_row = t * 16 + i
                    for j in range(_F // 16):
                        buf[e_row, pl.ds(j * 16, 16)] = (
                            buf[e_row, pl.ds(j * 16, 16)] * w
                        )
                return carry2

            lax.fori_loop(0, _C // 16, scale_group, 0)

        def group_body(gg, carry):
            base = wid * cpw + gg * _G
            pltpu.sync_copy(src_hbm.at[pl.ds(base, _G)], src_v)
            pltpu.sync_copy(dst_hbm.at[pl.ds(base, _G)], dst_v)
            pltpu.sync_copy(ew_hbm.at[pl.ds(base, _G)], ew_v)
            gdesc = [None] * _G
            sdesc = [None] * _G
            gdesc[0] = pltpu.async_copy(y_hbm.at[src_v.at[0]], bufs[0], gsem)
            for k in range(_G):
                buf = bufs[k % 2]
                gdesc[k].wait()
                if k + 1 < _G:
                    if k >= 1:
                        sdesc[k - 1].wait()
                    gdesc[k + 1] = pltpu.async_copy(
                        y_hbm.at[src_v.at[k + 1]], bufs[(k + 1) % 2], gsem
                    )
                scale_chunk(buf, k)
                sdesc[k] = pltpu.async_copy(
                    buf, z_sp.at[dst_v.at[k]], ssem, add=True
                )
            sdesc[_G - 2].wait()
            sdesc[_G - 1].wait()
            return carry

        lax.fori_loop(0, cpw // _G, group_body, 0)
        plsc.subcore_barrier()

        for k in range(rpt // _C):
            rowsl = pl.ds(s * rpt + k * _C, _C)
            pltpu.sync_copy(z_sp.at[rowsl], z_hbm.at[c, rowsl])

    return edge_kernel(y, src2d, dst2d, ew2d)


_BN = 1024


def _xw_block(x_ref, iw_ref, wih_ref, bi_ref, bh_ref, xw_ref):
    gates = (
        jax.lax.dot_general(
            iw_ref[...], wih_ref[...],
            dimension_numbers=(((1,), (1,)), ((), ())),
            preferred_element_type=jnp.float32,
        )
        + bi_ref[...]
        + bh_ref[...]
    )
    gi = gates[:, 0 * _F:1 * _F]
    gg = gates[:, 2 * _F:3 * _F]
    go = gates[:, 3 * _F:4 * _F]
    cc = jax.nn.sigmoid(gi) * jnp.tanh(gg)
    w = jax.nn.sigmoid(go) * jnp.tanh(cc)
    xw_ref[...] = jnp.dot(x_ref[...], w, preferred_element_type=jnp.float32)


def _xw(x_p, init_W, W_ih, b_ih2, b_hh2):
    grid = _NP // _BN
    return pl.pallas_call(
        _xw_block,
        grid=(grid,),
        in_specs=[
            pl.BlockSpec((_BN, _F), lambda i: (i, 0)),
            pl.BlockSpec((_F, _F), lambda i: (0, 0)),
            pl.BlockSpec((4 * _F, _F), lambda i: (0, 0)),
            pl.BlockSpec((1, 4 * _F), lambda i: (0, 0)),
            pl.BlockSpec((1, 4 * _F), lambda i: (0, 0)),
        ],
        out_specs=pl.BlockSpec((_BN, _F), lambda i: (i, 0)),
        out_shape=jax.ShapeDtypeStruct((_NP, _F), jnp.float32),
    )(x_p, init_W, W_ih, b_ih2, b_hh2)


def _y_block(xw_ref, deg_ref, y_ref, dinv_ref):
    d = deg_ref[...] + 1.0
    dinv = jnp.where(d > 0, lax.rsqrt(jnp.maximum(d, 1e-12)), 0.0)
    y_ref[...] = dinv * xw_ref[...]
    dinv_ref[...] = dinv


def _prep(xw, degsum):
    grid = _NP // _BN
    return pl.pallas_call(
        _y_block,
        grid=(grid,),
        in_specs=[
            pl.BlockSpec((_BN, _F), lambda i: (i, 0)),
            pl.BlockSpec((_BN, 1), lambda i: (i, 0)),
        ],
        out_specs=[
            pl.BlockSpec((_BN, _F), lambda i: (i, 0)),
            pl.BlockSpec((_BN, 1), lambda i: (i, 0)),
        ],
        out_shape=[
            jax.ShapeDtypeStruct((_NP, _F), jnp.float32),
            jax.ShapeDtypeStruct((_NP, 1), jnp.float32),
        ],
    )(xw, degsum)


def _final_block(z_ref, y_ref, dinv_ref, lw_ref, lb_ref, out_ref):
    zsum = z_ref[0] + z_ref[1] + y_ref[...]
    h = jnp.maximum(dinv_ref[...] * zsum, 0.0)
    out_ref[...] = (
        jax.lax.dot_general(
            h, lw_ref[...],
            dimension_numbers=(((1,), (1,)), ((), ())),
            preferred_element_type=jnp.float32,
        )
        + lb_ref[...]
    )


def _final(n, z, y, dinv, lin_w, lin_b2):
    bn = 1000
    grid = n // bn
    return pl.pallas_call(
        _final_block,
        grid=(grid,),
        in_specs=[
            pl.BlockSpec((_NC, bn, _F), lambda i: (0, i, 0)),
            pl.BlockSpec((bn, _F), lambda i: (i, 0)),
            pl.BlockSpec((bn, 1), lambda i: (i, 0)),
            pl.BlockSpec((_F, _F), lambda i: (0, 0)),
            pl.BlockSpec((1, _F), lambda i: (0, 0)),
        ],
        out_specs=pl.BlockSpec((bn, _F), lambda i: (i, 0)),
        out_shape=jax.ShapeDtypeStruct((n, _F), jnp.float32),
    )(z, y, dinv, lin_w, lin_b2)


def kernel(x, edge_index, edge_weight, init_W, W_ih, W_hh, b_ih, b_hh, lin_w, lin_b):
    n, f = x.shape
    e = edge_weight.shape[0]

    src = edge_index[0]
    dst = edge_index[1]

    chunks = -(-e // _C)
    cpw = -(-chunks // (_NW * _G)) * _G
    ep = cpw * _NW * _C
    pad = ep - e
    pad_idx = (jnp.arange(pad, dtype=jnp.int32) * 37) % n
    src_p = jnp.concatenate([src, pad_idx]).reshape(cpw * _NW, _C)
    dst_p = jnp.concatenate([dst, pad_idx]).reshape(cpw * _NW, _C)
    ew_p = jnp.concatenate(
        [edge_weight, jnp.zeros((pad,), edge_weight.dtype)]
    ).reshape(cpw * _NW, _C)

    x_p = jnp.pad(x, ((0, _NP - n), (0, 0)))
    b_ih2 = b_ih.reshape(1, 4 * _F)
    b_hh2 = b_hh.reshape(1, 4 * _F)
    lin_b2 = lin_b.reshape(1, _F)

    degp = _degree(dst_p, ew_p, cpw)
    xw = _xw(x_p, init_W, W_ih, b_ih2, b_hh2)
    degsum = (degp[0] + degp[1]).reshape(_NP, 1)
    y, dinv = _prep(xw, degsum)
    z = _edge_aggregate(y, src_p, dst_p, ew_p, cpw)
    return _final(n, z, y, dinv, lin_w, lin_b2)

# --- scband reference (transcript-rebuilt; emitter-appended) ---
"""Pipeline reference for scband-recurrent-gcn-egcno-36859409335073 (READ-ONLY COPY).

The authoritative reference and input builder live on the scoring server;
editing this copy changes nothing except your own understanding.
"""

import jax, jax.numpy as jnp
import numpy as np

N = 10000
E = 320000
F = 128

def setup_inputs(seed: int = 0):
    key = jax.random.key(seed)
    ks = jax.random.split(key, 10)
    x = jax.random.normal(ks[0], (N, F), dtype=jnp.float32)
    edge_index = jax.random.randint(ks[1], (2, E), 0, N, dtype=jnp.int32)
    edge_weight = jax.random.uniform(ks[2], (E,), dtype=jnp.float32)
    s = 1.0 / np.sqrt(F)
    init_W = jax.random.normal(ks[3], (F, F), dtype=jnp.float32) * s
    W_ih = jax.random.normal(ks[4], (4 * F, F), dtype=jnp.float32) * s
    W_hh = jax.random.normal(ks[5], (4 * F, F), dtype=jnp.float32) * s
    b_ih = jax.random.normal(ks[6], (4 * F,), dtype=jnp.float32) * s
    b_hh = jax.random.normal(ks[7], (4 * F,), dtype=jnp.float32) * s
    lin_w = jax.random.normal(ks[8], (F, F), dtype=jnp.float32) * s
    lin_b = jax.random.normal(ks[9], (F,), dtype=jnp.float32) * s
    return {"x": x, "edge_index": edge_index, "edge_weight": edge_weight, "init_W": init_W, "W_ih": W_ih, "W_hh": W_hh, "b_ih": b_ih, "b_hh": b_hh, "lin_w": lin_w, "lin_b": lin_b}

def _lstm_step(w, W_ih, W_hh, b_ih, b_hh):
    # EvolveGCNO evolves the GCN weight matrix via a single LSTM step with zero initial state.
    # w: [F, F] treated as (batch=F rows, features=F).
    h0 = jnp.zeros_like(w)
    gates = w @ W_ih.T + h0 @ W_hh.T + b_ih + b_hh
    i, f, g, o = jnp.split(gates, 4, axis=-1)
    i = jax.nn.sigmoid(i)
    f = jax.nn.sigmoid(f)
    g = jnp.tanh(g)
    o = jax.nn.sigmoid(o)
    c = i * g  # f * c0 = 0
    h = o * jnp.tanh(c)
    return h

def _gcn_fixed_w(W, x, edge_index, edge_weight):
    # GCNConv with externally supplied weight: out = D^-1/2 (A + I) D^-1/2 (x W)
    n = x.shape[0]
    src = edge_index[0]
    dst = edge_index[1]
    loop = jnp.arange(n, dtype=src.dtype)
    src = jnp.concatenate([src, loop])
    dst = jnp.concatenate([dst, loop])
    ew = jnp.concatenate([edge_weight, jnp.ones((n,), dtype=edge_weight.dtype)])
    deg = jnp.zeros((n,), dtype=ew.dtype).at[dst].add(ew)
    dinv = jnp.where(deg > 0, jax.lax.rsqrt(jnp.maximum(deg, 1e-12)), 0.0)
    norm = dinv[src] * ew * dinv[dst]
    xw = x @ W
    msgs = norm[:, None] * jnp.take(xw, src, axis=0)
    out = jnp.zeros_like(xw).at[dst].add(msgs)
    return out

def reference(x, edge_index, edge_weight, init_W, W_ih, W_hh, b_ih, b_hh, lin_w, lin_b):
    W = _lstm_step(init_W, W_ih, W_hh, b_ih, b_hh)
    h = _gcn_fixed_w(W, x, edge_index, edge_weight)
    h = jax.nn.relu(h)
    h = h @ lin_w.T + lin_b
    return h

if __name__ == "__main__":
    import jax
    _d = setup_inputs()
    print(jax.jit(kernel)(*tuple(_d.values())))

</pallas_src>

<mosaic_0001>
#map = affine_map<(d0, d1) -> (0, 0)>
module attributes {stable_mosaic.version = 14 : i64} {
  func.func @deg_kernel(%arg0: i32, %arg1: i32, %arg2: memref<2560x128xi32, #tpu.memory_space<hbm>>, %arg3: memref<2560x128xf32, #tpu.memory_space<hbm>>, %arg4: memref<2x10240xf32, #tpu.memory_space<hbm>>, %arg5: memref<640xf32, #tpu.memory_space<vmem>>, %arg6: memref<8x128xi32, #tpu.memory_space<vmem>>, %arg7: memref<8x128xf32, #tpu.memory_space<vmem>>, %arg8: memref<10240xf32, #tpu.memory_space<vmem_shared>>, %arg9: memref<!tpu.dma_semaphore, #tpu.memory_space<semaphore_mem>>) attributes {dimension_semantics = [#tpu.dimension_semantics<core_parallel>, #tpu.dimension_semantics<subcore_parallel>], iteration_bounds = array<i64: 2, 16>, scalar_prefetch = 0 : i64, scratch_operands = 5 : i64, tpu.core_type = #tpu.core_type<sc_vector_subcore>, window_params = [{transform_indices = #map}, {transform_indices = #map}, {transform_indices = #map}]} {
    %mul3A = arith.constant 16 : i32
    %mul3A_0 = arith.muli %arg0, %mul3A : i32
    %add3A = arith.addi %mul3A_0, %arg1 : i32
    %broadcast_in_dim3A = arith.constant 0.000000e+00 : f32
    %broadcast_in_dim3A_1 = vector.broadcast %broadcast_in_dim3A : f32 to vector<16xf32>
    %swap3A = arith.constant 0 : index
    %swap3A_2 = tpu.vector_load %arg5[%swap3A] {strides = array<i32>} : memref<640xf32, #tpu.memory_space<vmem>>, vector<16xf32>,
    %swap3A_3 = vector.shape_cast %swap3A_2 : vector<16xf32> to vector<16xf32>
    %swap3A_4 = vector.shape_cast %broadcast_in_dim3A_1 : vector<16xf32> to vector<16xf32>
    tpu.vector_store %arg5[%swap3A], %swap3A_4 {strides = array<i32>} : memref<640xf32, #tpu.memory_space<vmem>>, vector<16xf32>,
    %swap3A_5 = arith.constant 16 : index
    %swap3A_6 = tpu.vector_load %arg5[%swap3A_5] {strides = array<i32>} : memref<640xf32, #tpu.memory_space<vmem>>, vector<16xf32>,
    %swap3A_7 = vector.shape_cast %swap3A_6 : vector<16xf32> to vector<16xf32>
    %swap3A_8 = vector.shape_cast %broadcast_in_dim3A_1 : vector<16xf32> to vector<16xf32>
    tpu.vector_store %arg5[%swap3A_5], %swap3A_8 {strides = array<i32>} : memref<640xf32, #tpu.memory_space<vmem>>, vector<16xf32>,
    %swap3A_9 = arith.constant 32 : index
    %swap3A_10 = tpu.vector_load %arg5[%swap3A_9] {strides = array<i32>} : memref<640xf32, #tpu.memory_space<vmem>>, vector<16xf32>,
    %swap3A_11 = vector.shape_cast %swap3A_10 : vector<16xf32> to vector<16xf32>
    %swap3A_12 = vector.shape_cast %broadcast_in_dim3A_1 : vector<16xf32> to vector<16xf32>
    tpu.vector_store %arg5[%swap3A_9], %swap3A_12 {strides = array<i32>} : memref<640xf32, #tpu.memory_space<vmem>>, vector<16xf32>,
    %swap3A_13 = arith.constant 48 : index
    %swap3A_14 = tpu.vector_load %arg5[%swap3A_13] {strides = array<i32>} : memref<640xf32, #tpu.memory_space<vmem>>, vector<16xf32>,
    %swap3A_15 = vector.shape_cast %swap3A_14 : vector<16xf32> to vector<16xf32>
    %swap3A_16 = vector.shape_cast %broadcast_in_dim3A_1 : vector<16xf32> to vector<16xf32>
    tpu.vector_store %arg5[%swap3A_13], %swap3A_16 {strides = array<i32>} : memref<640xf32, #tpu.memory_space<vmem>>, vector<16xf32>,
    %swap3A_17 = arith.constant 64 : index
    %swap3A_18 = tpu.vector_load %arg5[%swap3A_17] {strides = array<i32>} : memref<640xf32, #tpu.memory_space<vmem>>, vector<16xf32>,
    %swap3A_19 = vector.shape_cast %swap3A_18 : vector<16xf32> to vector<16xf32>
    %swap3A_20 = vector.shape_cast %broadcast_in_dim3A_1 : vector<16xf32> to vector<16xf32>
    tpu.vector_store %arg5[%swap3A_17], %swap3A_20 {strides = array<i32>} : memref<640xf32, #tpu.memory_space<vmem>>, vector<16xf32>,
    %swap3A_21 = arith.constant 80 : index
    %swap3A_22 = tpu.vector_load %arg5[%swap3A_21] {strides = array<i32>} : memref<640xf32, #tpu.memory_space<vmem>>, vector<16xf32>,
    %swap3A_23 = vector.shape_cast %swap3A_22 : vector<16xf32> to vector<16xf32>
    %swap3A_24 = vector.shape_cast %broadcast_in_dim3A_1 : vector<16xf32> to vector<16xf32>
    tpu.vector_store %arg5[%swap3A_21], %swap3A_24 {strides = array<i32>} : memref<640xf32, #tpu.memory_space<vmem>>, vector<16xf32>,
    %swap3A_25 = arith.constant 96 : index
    %swap3A_26 = tpu.vector_load %arg5[%swap3A_25] {strides = array<i32>} : memref<640xf32, #tpu.memory_space<vmem>>, vector<16xf32>,
    %swap3A_27 = vector.shape_cast %swap3A_26 : vector<16xf32> to vector<16xf32>
    %swap3A_28 = vector.shape_cast %broadcast_in_dim3A_1 : vector<16xf32> to vector<16xf32>
    tpu.vector_store %arg5[%swap3A_25], %swap3A_28 {strides = array<i32>} : memref<640xf32, #tpu.memory_space<vmem>>, vector<16xf32>,
    %swap3A_29 = arith.constant 112 : index
    %swap3A_30 = tpu.vector_load %arg5[%swap3A_29] {strides = array<i32>} : memref<640xf32, #tpu.memory_space<vmem>>, vector<16xf32>,
    %swap3A_31 = vector.shape_cast %swap3A_30 : vector<16xf32> to vector<16xf32>
    %swap3A_32 = vector.shape_cast %broadcast_in_dim3A_1 : vector<16xf32> to vector<16xf32>
    tpu.vector_store %arg5[%swap3A_29], %swap3A_32 {strides = array<i32>} : memref<640xf32, #tpu.memory_space<vmem>>, vector<16xf32>,
    %swap3A_33 = arith.constant 128 : index
    %swap3A_34 = tpu.vector_load %arg5[%swap3A_33] {strides = array<i32>} : memref<640xf32, #tpu.memory_space<vmem>>, vector<16xf32>,
    %swap3A_35 = vector.shape_cast %swap3A_34 : vector<16xf32> to vector<16xf32>
    %swap3A_36 = vector.shape_cast %broadcast_in_dim3A_1 : vector<16xf32> to vector<16xf32>
    tpu.vector_store %arg5[%swap3A_33], %swap3A_36 {strides = array<i32>} : memref<640xf32, #tpu.memory_space<vmem>>, vector<16xf32>,
    %swap3A_37 = arith.constant 144 : index
    %swap3A_38 = tpu.vector_load %arg5[%swap3A_37] {strides = array<i32>} : memref<640xf32, #tpu.memory_space<vmem>>, vector<16xf32>,
    %swap3A_39 = vector.shape_cast %swap3A_38 : vector<16xf32> to vector<16xf32>
    %swap3A_40 = vector.shape_cast %broadcast_in_dim3A_1 : vector<16xf32> to vector<16xf32>
    tpu.vector_store %arg5[%swap3A_37], %swap3A_40 {strides = array<i32>} : memref<640xf32, #tpu.memory_space<vmem>>, vector<16xf32>,
    %swap3A_41 = arith.constant 160 : index
    %swap3A_42 = tpu.vector_load %arg5[%swap3A_41] {strides = array<i32>} : memref<640xf32, #tpu.memory_space<vmem>>, vector<16xf32>,
    %swap3A_43 = vector.shape_cast %swap3A_42 : vector<16xf32> to vector<16xf32>
    %swap3A_44 = vector.shape_cast %broadcast_in_dim3A_1 : vector<16xf32> to vector<16xf32>
    tpu.vector_store %arg5[%swap3A_41], %swap3A_44 {strides = array<i32>} : memref<640xf32, #tpu.memory_space<vmem>>, vector<16xf32>,
    %swap3A_45 = arith.constant 176 : index
    %swap3A_46 = tpu.vector_load %arg5[%swap3A_45] {strides = array<i32>} : memref<640xf32, #tpu.memory_space<vmem>>, vector<16xf32>,
    %swap3A_47 = vector.shape_cast %swap3A_46 : vector<16xf32> to vector<16xf32>
    %swap3A_48 = vector.shape_cast %broadcast_in_dim3A_1 : vector<16xf32> to vector<16xf32>
    tpu.vector_store %arg5[%swap3A_45], %swap3A_48 {strides = array<i32>} : memref<640xf32, #tpu.memory_space<vmem>>, vector<16xf32>,
    %swap3A_49 = arith.constant 192 : index
    %swap3A_50 = tpu.vector_load %arg5[%swap3A_49] {strides = array<i32>} : memref<640xf32, #tpu.memory_space<vmem>>, vector<16xf32>,
    %swap3A_51 = vector.shape_cast %swap3A_50 : vector<16xf32> to vector<16xf32>
    %swap3A_52 = vector.shape_cast %broadcast_in_dim3A_1 : vector<16xf32> to vector<16xf32>
    tpu.vector_store %arg5[%swap3A_49], %swap3A_52 {strides = array<i32>} : memref<640xf32, #tpu.memory_space<vmem>>, vector<16xf32>,
    %swap3A_53 = arith.constant 208 : index
    %swap3A_54 = tpu.vector_load %arg5[%swap3A_53] {strides = array<i32>} : memref<640xf32, #tpu.memory_space<vmem>>, vector<16xf32>,
    %swap3A_55 = vector.shape_cast %swap3A_54 : vector<16xf32> to vector<16xf32>
    %swap3A_56 = vector.shape_cast %broadcast_in_dim3A_1 : vector<16xf32> to vector<16xf32>
    tpu.vector_store %arg5[%swap3A_53], %swap3A_56 {strides = array<i32>} : memref<640xf32, #tpu.memory_space<vmem>>, vector<16xf32>,
    %swap3A_57 = arith.constant 224 : index
    %swap3A_58 = tpu.vector_load %arg5[%swap3A_57] {strides = array<i32>} : memref<640xf32, #tpu.memory_space<vmem>>, vector<16xf32>,
    %swap3A_59 = vector.shape_cast %swap3A_58 : vector<16xf32> to vector<16xf32>
    %swap3A_60 = vector.shape_cast %broadcast_in_dim3A_1 : vector<16xf32> to vector<16xf32>
    tpu.vector_store %arg5[%swap3A_57], %swap3A_60 {strides = array<i32>} : memref<640xf32, #tpu.memory_space<vmem>>, vector<16xf32>,
    %swap3A_61 = arith.constant 240 : index
    %swap3A_62 = tpu.vector_load %arg5[%swap3A_61] {strides = array<i32>} : memref<640xf32, #tpu.memory_space<vmem>>, vector<16xf32>,
    %swap3A_63 = vector.shape_cast %swap3A_62 : vector<16xf32> to vector<16xf32>
    %swap3A_64 = vector.shape_cast %broadcast_in_dim3A_1 : vector<16xf32> to vector<16xf32>
    tpu.vector_store %arg5[%swap3A_61], %swap3A_64 {strides = array<i32>} : memref<640xf32, #tpu.memory_space<vmem>>, vector<16xf32>,
    %swap3A_65 = arith.constant 256 : index
    %swap3A_66 = tpu.vector_load %arg5[%swap3A_65] {strides = array<i32>} : memref<640xf32, #tpu.memory_space<vmem>>, vector<16xf32>,
    %swap3A_67 = vector.shape_cast %swap3A_66 : vector<16xf32> to vector<16xf32>
    %swap3A_68 = vector.shape_cast %broadcast_in_dim3A_1 : vector<16xf32> to vector<16xf32>
    tpu.vector_store %arg5[%swap3A_65], %swap3A_68 {strides = array<i32>} : memref<640xf32, #tpu.memory_space<vmem>>, vector<16xf32>,
    %swap3A_69 = arith.constant 272 : index
    %swap3A_70 = tpu.vector_load %arg5[%swap3A_69] {strides = array<i32>} : memref<640xf32, #tpu.memory_space<vmem>>, vector<16xf32>,
    %swap3A_71 = vector.shape_cast %swap3A_70 : vector<16xf32> to vector<16xf32>
    %swap3A_72 = vector.shape_cast %broadcast_in_dim3A_1 : vector<16xf32> to vector<16xf32>
    tpu.vector_store %arg5[%swap3A_69], %swap3A_72 {strides = array<i32>} : memref<640xf32, #tpu.memory_space<vmem>>, vector<16xf32>,
    %swap3A_73 = arith.constant 288 : index
    %swap3A_74 = tpu.vector_load %arg5[%swap3A_73] {strides = array<i32>} : memref<640xf32, #tpu.memory_space<vmem>>, vector<16xf32>,
    %swap3A_75 = vector.shape_cast %swap3A_74 : vector<16xf32> to vector<16xf32>
    %swap3A_76 = vector.shape_cast %broadcast_in_dim3A_1 : vector<16xf32> to vector<16xf32>
    tpu.vector_store %arg5[%swap3A_73], %swap3A_76 {strides = array<i32>} : memref<640xf32, #tpu.memory_space<vmem>>, vector<16xf32>,
    %swap3A_77 = arith.constant 304 : index
    %swap3A_78 = tpu.vector_load %arg5[%swap3A_77] {strides = array<i32>} : memref<640xf32, #tpu.memory_space<vmem>>, vector<16xf32>,
    %swap3A_79 = vector.shape_cast %swap3A_78 : vector<16xf32> to vector<16xf32>
    %swap3A_80 = vector.shape_cast %broadcast_in_dim3A_1 : vector<16xf32> to vector<16xf32>
    tpu.vector_store %arg5[%swap3A_77], %swap3A_80 {strides = array<i32>} : memref<640xf32, #tpu.memory_space<vmem>>, vector<16xf32>,
    %swap3A_81 = arith.constant 320 : index
    %swap3A_82 = tpu.vector_load %arg5[%swap3A_81] {strides = array<i32>} : memref<640xf32, #tpu.memory_space<vmem>>, vector<16xf32>,
    %swap3A_83 = vector.shape_cast %swap3A_82 : vector<16xf32> to vector<16xf32>
    %swap3A_84 = vector.shape_cast %broadcast_in_dim3A_1 : vector<16xf32> to vector<16xf32>
    tpu.vector_store %arg5[%swap3A_81], %swap3A_84 {strides = array<i32>} : memref<640xf32, #tpu.memory_space<vmem>>, vector<16xf32>,
    %swap3A_85 = arith.constant 336 : index
    %swap3A_86 = tpu.vector_load %arg5[%swap3A_85] {strides = array<i32>} : memref<640xf32, #tpu.memory_space<vmem>>, vector<16xf32>,
    %swap3A_87 = vector.shape_cast %swap3A_86 : vector<16xf32> to vector<16xf32>
    %swap3A_88 = vector.shape_cast %broadcast_in_dim3A_1 : vector<16xf32> to vector<16xf32>
    tpu.vector_store %arg5[%swap3A_85], %swap3A_88 {strides = array<i32>} : memref<640xf32, #tpu.memory_space<vmem>>, vector<16xf32>,
    %swap3A_89 = arith.constant 352 : index
    %swap3A_90 = tpu.vector_load %arg5[%swap3A_89] {strides = array<i32>} : memref<640xf32, #tpu.memory_space<vmem>>, vector<16xf32>,
    %swap3A_91 = vector.shape_cast %swap3A_90 : vector<16xf32> to vector<16xf32>
    %swap3A_92 = vector.shape_cast %broadcast_in_dim3A_1 : vector<16xf32> to vector<16xf32>
    tpu.vector_store %arg5[%swap3A_89], %swap3A_92 {strides = array<i32>} : memref<640xf32, #tpu.memory_space<vmem>>, vector<16xf32>,
    %swap3A_93 = arith.constant 368 : index
    %swap3A_94 = tpu.vector_load %arg5[%swap3A_93] {strides = array<i32>} : memref<640xf32, #tpu.memory_space<vmem>>, vector<16xf32>,
    %swap3A_95 = vector.shape_cast %swap3A_94 : vector<16xf32> to vector<16xf32>
    %swap3A_96 = vector.shape_cast %broadcast_in_dim3A_1 : vector<16xf32> to vector<16xf32>
    tpu.vector_store %arg5[%swap3A_93], %swap3A_96 {strides = array<i32>} : memref<640xf32, #tpu.memory_space<vmem>>, vector<16xf32>,
    %swap3A_97 = arith.constant 384 : index
    %swap3A_98 = tpu.vector_load %arg5[%swap3A_97] {strides = array<i32>} : memref<640xf32, #tpu.memory_space<vmem>>, vector<16xf32>,
    %swap3A_99 = vector.shape_cast %swap3A_98 : vector<16xf32> to vector<16xf32>
    %swap3A_100 = vector.shape_cast %broadcast_in_dim3A_1 : vector<16xf32> to vector<16xf32>
    tpu.vector_store %arg5[%swap3A_97], %swap3A_100 {strides = array<i32>} : memref<640xf32, #tpu.memory_space<vmem>>, vector<16xf32>,
    %swap3A_101 = arith.constant 400 : index
    %swap3A_102 = tpu.vector_load %arg5[%swap3A_101] {strides = array<i32>} : memref<640xf32, #tpu.memory_space<vmem>>, vector<16xf32>,
    %swap3A_103 = vector.shape_cast %swap3A_102 : vector<16xf32> to vector<16xf32>
    %swap3A_104 = vector.shape_cast %broadcast_in_dim3A_1 : vector<16xf32> to vector<16xf32>
    tpu.vector_store %arg5[%swap3A_101], %swap3A_104 {strides = array<i32>} : memref<640xf32, #tpu.memory_space<vmem>>, vector<16xf32>,
    %swap3A_105 = arith.constant 416 : index
    %swap3A_106 = tpu.vector_load %arg5[%swap3A_105] {strides = array<i32>} : memref<640xf32, #tpu.memory_space<vmem>>, vector<16xf32>,
    %swap3A_107 = vector.shape_cast %swap3A_106 : vector<16xf32> to vector<16xf32>
    %swap3A_108 = vector.shape_cast %broadcast_in_dim3A_1 : vector<16xf32> to vector<16xf32>
    tpu.vector_store %arg5[%swap3A_105], %swap3A_108 {strides = array<i32>} : memref<640xf32, #tpu.memory_space<vmem>>, vector<16xf32>,
    %swap3A_109 = arith.constant 432 : index
    %swap3A_110 = tpu.vector_load %arg5[%swap3A_109] {strides = array<i32>} : memref<640xf32, #tpu.memory_space<vmem>>, vector<16xf32>,
    %swap3A_111 = vector.shape_cast %swap3A_110 : vector<16xf32> to vector<16xf32>
    %swap3A_112 = vector.shape_cast %broadcast_in_dim3A_1 : vector<16xf32> to vector<16xf32>
    tpu.vector_store %arg5[%swap3A_109], %swap3A_112 {strides = array<i32>} : memref<640xf32, #tpu.memory_space<vmem>>, vector<16xf32>,
    %swap3A_113 = arith.constant 448 : index
    %swap3A_114 = tpu.vector_load %arg5[%swap3A_113] {strides = array<i32>} : memref<640xf32, #tpu.memory_space<vmem>>, vector<16xf32>,
    %swap3A_115 = vector.shape_cast %swap3A_114 : vector<16xf32> to vector<16xf32>
    %swap3A_116 = vector.shape_cast %broadcast_in_dim3A_1 : vector<16xf32> to vector<16xf32>
    tpu.vector_store %arg5[%swap3A_113], %swap3A_116 {strides = array<i32>} : memref<640xf32, #tpu.memory_space<vmem>>, vector<16xf32>,
    %swap3A_117 = arith.constant 464 : index
    %swap3A_118 = tpu.vector_load %arg5[%swap3A_117] {strides = array<i32>} : memref<640xf32, #tpu.memory_space<vmem>>, vector<16xf32>,
    %swap3A_119 = vector.shape_cast %swap3A_118 : vector<16xf32> to vector<16xf32>
    %swap3A_120 = vector.shape_cast %broadcast_in_dim3A_1 : vector<16xf32> to vector<16xf32>
    tpu.vector_store %arg5[%swap3A_117], %swap3A_120 {strides = array<i32>} : memref<640xf32, #tpu.memory_space<vmem>>, vector<16xf32>,
    %swap3A_121 = arith.constant 480 : index
    %swap3A_122 = tpu.vector_load %arg5[%swap3A_121] {strides = array<i32>} : memref<640xf32, #tpu.memory_space<vmem>>, vector<16xf32>,
    %swap3A_123 = vector.shape_cast %swap3A_122 : vector<16xf32> to vector<16xf32>
    %swap3A_124 = vector.shape_cast %broadcast_in_dim3A_1 : vector<16xf32> to vector<16xf32>
    tpu.vector_store %arg5[%swap3A_121], %swap3A_124 {strides = array<i32>} : memref<640xf32, #tpu.memory_space<vmem>>, vector<16xf32>,
    %swap3A_125 = arith.constant 496 : index
    %swap3A_126 = tpu.vector_load %arg5[%swap3A_125] {strides = array<i32>} : memref<640xf32, #tpu.memory_space<vmem>>, vector<16xf32>,
    %swap3A_127 = vector.shape_cast %swap3A_126 : vector<16xf32> to vector<16xf32>
    %swap3A_128 = vector.shape_cast %broadcast_in_dim3A_1 : vector<16xf32> to vector<16xf32>
    tpu.vector_store %arg5[%swap3A_125], %swap3A_128 {strides = array<i32>} : memref<640xf32, #tpu.memory_space<vmem>>, vector<16xf32>,
    %swap3A_129 = arith.constant 512 : index
    %swap3A_130 = tpu.vector_load %arg5[%swap3A_129] {strides = array<i32>} : memref<640xf32, #tpu.memory_space<vmem>>, vector<16xf32>,
    %swap3A_131 = vector.shape_cast %swap3A_130 : vector<16xf32> to vector<16xf32>
    %swap3A_132 = vector.shape_cast %broadcast_in_dim3A_1 : vector<16xf32> to vector<16xf32>
    tpu.vector_store %arg5[%swap3A_129], %swap3A_132 {strides = array<i32>} : memref<640xf32, #tpu.memory_space<vmem>>, vector<16xf32>,
    %swap3A_133 = arith.constant 528 : index
    %swap3A_134 = tpu.vector_load %arg5[%swap3A_133] {strides = array<i32>} : memref<640xf32, #tpu.memory_space<vmem>>, vector<16xf32>,
    %swap3A_135 = vector.shape_cast %swap3A_134 : vector<16xf32> to vector<16xf32>
    %swap3A_136 = vector.shape_cast %broadcast_in_dim3A_1 : vector<16xf32> to vector<16xf32>
    tpu.vector_store %arg5[%swap3A_133], %swap3A_136 {strides = array<i32>} : memref<640xf32, #tpu.memory_space<vmem>>, vector<16xf32>,
    %swap3A_137 = arith.constant 544 : index
    %swap3A_138 = tpu.vector_load %arg5[%swap3A_137] {strides = array<i32>} : memref<640xf32, #tpu.memory_space<vmem>>, vector<16xf32>,
    %swap3A_139 = vector.shape_cast %swap3A_138 : vector<16xf32> to vector<16xf32>
    %swap3A_140 = vector.shape_cast %broadcast_in_dim3A_1 : vector<16xf32> to vector<16xf32>
    tpu.vector_store %arg5[%swap3A_137], %swap3A_140 {strides = array<i32>} : memref<640xf32, #tpu.memory_space<vmem>>, vector<16xf32>,
    %swap3A_141 = arith.constant 560 : index
    %swap3A_142 = tpu.vector_load %arg5[%swap3A_141] {strides = array<i32>} : memref<640xf32, #tpu.memory_space<vmem>>, vector<16xf32>,
    %swap3A_143 = vector.shape_cast %swap3A_142 : vector<16xf32> to vector<16xf32>
    %swap3A_144 = vector.shape_cast %broadcast_in_dim3A_1 : vector<16xf32> to vector<16xf32>
    tpu.vector_store %arg5[%swap3A_141], %swap3A_144 {strides = array<i32>} : memref<640xf32, #tpu.memory_space<vmem>>, vector<16xf32>,
    %swap3A_145 = arith.constant 576 : index
    %swap3A_146 = tpu.vector_load %arg5[%swap3A_145] {strides = array<i32>} : memref<640xf32, #tpu.memory_space<vmem>>, vector<16xf32>,
    %swap3A_147 = vector.shape_cast %swap3A_146 : vector<16xf32> to vector<16xf32>
    %swap3A_148 = vector.shape_cast %broadcast_in_dim3A_1 : vector<16xf32> to vector<16xf32>
    tpu.vector_store %arg5[%swap3A_145], %swap3A_148 {strides = array<i32>} : memref<640xf32, #tpu.memory_space<vmem>>, vector<16xf32>,
    %swap3A_149 = arith.constant 592 : index
    %swap3A_150 = tpu.vector_load %arg5[%swap3A_149] {strides = array<i32>} : memref<640xf32, #tpu.memory_space<vmem>>, vector<16xf32>,
    %swap3A_151 = vector.shape_cast %swap3A_150 : vector<16xf32> to vector<16xf32>
    %swap3A_152 = vector.shape_cast %broadcast_in_dim3A_1 : vector<16xf32> to vector<16xf32>
    tpu.vector_store %arg5[%swap3A_149], %swap3A_152 {strides = array<i32>} : memref<640xf32, #tpu.memory_space<vmem>>, vector<16xf32>,
    %swap3A_153 = arith.constant 608 : index
    %swap3A_154 = tpu.vector_load %arg5[%swap3A_153] {strides = array<i32>} : memref<640xf32, #tpu.memory_space<vmem>>, vector<16xf32>,
    %swap3A_155 = vector.shape_cast %swap3A_154 : vector<16xf32> to vector<16xf32>
    %swap3A_156 = vector.shape_cast %broadcast_in_dim3A_1 : vector<16xf32> to vector<16xf32>
    tpu.vector_store %arg5[%swap3A_153], %swap3A_156 {strides = array<i32>} : memref<640xf32, #tpu.memory_space<vmem>>, vector<16xf32>,
    %swap3A_157 = arith.constant 624 : index
    %swap3A_158 = tpu.vector_load %arg5[%swap3A_157] {strides = array<i32>} : memref<640xf32, #tpu.memory_space<vmem>>, vector<16xf32>,
    %swap3A_159 = vector.shape_cast %swap3A_158 : vector<16xf32> to vector<16xf32>
    %swap3A_160 = vector.shape_cast %broadcast_in_dim3A_1 : vector<16xf32> to vector<16xf32>
    tpu.vector_store %arg5[%swap3A_157], %swap3A_160 {strides = array<i32>} : memref<640xf32, #tpu.memory_space<vmem>>, vector<16xf32>,
    %mul3A_161 = arith.constant 640 : i32
    %mul3A_162 = arith.muli %arg1, %mul3A_161 : i32
    "tpu.region"() ({
      %run_scoped3A = tpu.sem_alloc : memref<!tpu.dma_semaphore, #tpu.memory_space<semaphore_mem>>
      %dma_start3A = tpu.memref_slice %arg8[%mul3A_162] : memref<10240xf32, #tpu.memory_space<vmem_shared>> -> memref<640xf32, #tpu.memory_space<vmem_shared>>
      %dma_start3A_169 = tpu.memref_slice %arg8[%mul3A_162] : memref<10240xf32, #tpu.memory_space<vmem_shared>> -> memref<640xf32, #tpu.memory_space<vmem_shared>>
      tpu.enqueue_dma source(%arg5 : memref<640xf32, #tpu.memory_space<vmem>>) target(%dma_start3A_169 : memref<640xf32, #tpu.memory_space<vmem_shared>>) target_semaphore(%run_scoped3A : memref<!tpu.dma_semaphore, #tpu.memory_space<semaphore_mem>>)
      %dma_wait3A = tpu.memref_slice %arg8[%mul3A_162] : memref<10240xf32, #tpu.memory_space<vmem_shared>> -> memref<640xf32, #tpu.memory_space<vmem_shared>>
      %dma_wait3A_170 = tpu.memref_slice %arg8[%mul3A_162] : memref<10240xf32, #tpu.memory_space<vmem_shared>> -> memref<640xf32, #tpu.memory_space<vmem_shared>>
      tpu.wait_dma2 semaphore(%run_scoped3A : memref<!tpu.dma_semaphore, #tpu.memory_space<semaphore_mem>>) src(%arg5 : memref<640xf32, #tpu.memory_space<vmem>>) dst(%dma_wait3A_170 : memref<640xf32, #tpu.memory_space<vmem_shared>>)
      tpu.yield
    }) : () -> ()
    %barrier3A = arith.constant 0 : index
    tpu.barrier barrier_id(%barrier3A)
    %scan3A = arith.constant 0 : i32
    %scan3A_163 = arith.constant 0 : i32
    %scan3A_164 = arith.constant 10 : i32
    %scan3A_165 = arith.addi %scan3A_163, %scan3A_164 : i32
    %scan3A_166 = arith.constant 1 : i32
    scf.for %scan3A_169 = %scan3A_163 to %scan3A_165 step %scan3A_166  : i32 {
      %mul3A_170 = arith.constant 80 : i32
      %mul3A_171 = arith.muli %add3A, %mul3A_170 : i32
      %mul3A_172 = arith.constant 8 : i32
      %mul3A_173 = arith.muli %scan3A_169, %mul3A_172 : i32
      %add3A_174 = arith.addi %mul3A_171, %mul3A_173 : i32
      "tpu.region"() ({
        %run_scoped3A = tpu.sem_alloc : memref<!tpu.dma_semaphore, #tpu.memory_space<semaphore_mem>>
        %dma_start3A_333 = arith.constant 0 : i32
        %dma_start3A_334 = tpu.memref_slice %arg2[%add3A_174, %dma_start3A_333] : memref<2560x128xi32, #tpu.memory_space<hbm>> -> memref<8x128xi32, #tpu.memory_space<hbm>>
        %dma_start3A_335 = arith.constant 0 : i32
        %dma_start3A_336 = tpu.memref_slice %arg2[%add3A_174, %dma_start3A_335] : memref<2560x128xi32, #tpu.memory_space<hbm>> -> memref<8x128xi32, #tpu.memory_space<hbm>>
        tpu.enqueue_dma source(%dma_start3A_336 : memref<8x128xi32, #tpu.memory_space<hbm>>) target(%arg6 : memref<8x128xi32, #tpu.memory_space<vmem>>) target_semaphore(%run_scoped3A : memref<!tpu.dma_semaphore, #tpu.memory_space<semaphore_mem>>)
        %dma_wait3A_337 = arith.constant 0 : i32
        %dma_wait3A_338 = tpu.memref_slice %arg2[%add3A_174, %dma_wait3A_337] : memref<2560x128xi32, #tpu.memory_space<hbm>> -> memref<8x128xi32, #tpu.memory_space<hbm>>
        %dma_wait3A_339 = arith.constant 0 : i32
        %dma_wait3A_340 = tpu.memref_slice %arg2[%add3A_174, %dma_wait3A_339] : memref<2560x128xi32, #tpu.memory_space<hbm>> -> memref<8x128xi32, #tpu.memory_space<hbm>>
        tpu.wait_dma2 semaphore(%run_scoped3A : memref<!tpu.dma_semaphore, #tpu.memory_space<semaphore_mem>>) src(%dma_wait3A_340 : memref<8x128xi32, #tpu.memory_space<hbm>>) dst(%arg6 : memref<8x128xi32, #tpu.memory_space<vmem>>)
        tpu.yield
      }) : () -> ()
      "tpu.region"() ({
        %run_scoped3A = tpu.sem_alloc : memref<!tpu.dma_semaphore, #tpu.memory_space<semaphore_mem>>
        %dma_start3A_333 = arith.constant 0 : i32
        %dma_start3A_334 = tpu.memref_slice %arg3[%add3A_174, %dma_start3A_333] : memref<2560x128xf32, #tpu.memory_space<hbm>> -> memref<8x128xf32, #tpu.memory_space<hbm>>
        %dma_start3A_335 = arith.constant 0 : i32
        %dma_start3A_336 = tpu.memref_slice %arg3[%add3A_174, %dma_start3A_335] : memref<2560x128xf32, #tpu.memory_space<hbm>> -> memref<8x128xf32, #tpu.memory_space<hbm>>
        tpu.enqueue_dma source(%dma_start3A_336 : memref<8x128xf32, #tpu.memory_space<hbm>>) target(%arg7 : memref<8x128xf32, #tpu.memory_space<vmem>>) target_semaphore(%run_scoped3A : memref<!tpu.dma_semaphore, #tpu.memory_space<semaphore_mem>>)
        %dma_wait3A_337 = arith.constant 0 : i32
        %dma_wait3A_338 = tpu.memref_slice %arg3[%add3A_174, %dma_wait3A_337] : memref<2560x128xf32, #tpu.memory_space<hbm>> -> memref<8x128xf32, #tpu.memory_space<hbm>>
        %dma_wait3A_339 = arith.constant 0 : i32
        %dma_wait3A_340 = tpu.memref_slice %arg3[%add3A_174, %dma_wait3A_339] : memref<2560x128xf32, #tpu.memory_space<hbm>> -> memref<8x128xf32, #tpu.memory_space<hbm>>
        tpu.wait_dma2 semaphore(%run_scoped3A : memref<!tpu.dma_semaphore, #tpu.memory_space<semaphore_mem>>) src(%dma_wait3A_340 : memref<8x128xf32, #tpu.memory_space<hbm>>) dst(%arg7 : memref<8x128xf32, #tpu.memory_space<vmem>>)
        tpu.yield
      }) : () -> ()
      %dma_start3A = arith.constant 0 : i32
      %dma_start3A_175 = arith.constant 0 : i32
      %dma_start3A_176 = arith.constant 0 : i32
      %dma_start3A_177 = tpu.memref_slice %arg7[%dma_start3A, %dma_start3A_176] : memref<8x128xf32, #tpu.memory_space<vmem>> -> memref<1x128xf32, #tpu.memory_space<vmem>>
      %dma_start3A_178 = tpu.memref_squeeze %dma_start3A_177 : memref<1x128xf32, #tpu.memory_space<vmem>> -> memref<128xf32, #tpu.memory_space<vmem>>
      %dma_start3A_179 = arith.constant 0 : i32
      %dma_start3A_180 = tpu.memref_slice %arg6[%dma_start3A_175, %dma_start3A_179] : memref<8x128xi32, #tpu.memory_space<vmem>> -> memref<1x128xi32, #tpu.memory_space<vmem>>
      %dma_start3A_181 = tpu.memref_squeeze %dma_start3A_180 : memref<1x128xi32, #tpu.memory_space<vmem>> -> memref<128xi32, #tpu.memory_space<vmem>>
      %dma_start3A_182 = arith.constant 0 : i32
      %dma_start3A_183 = tpu.memref_slice %arg8[%dma_start3A_182] : memref<10240xf32, #tpu.memory_space<vmem_shared>> -> memref<10240xf32, #tpu.memory_space<vmem_shared>>
      tpu.enqueue_indirect_dma source(%dma_start3A_178 : memref<128xf32, #tpu.memory_space<vmem>>) target(%dma_start3A_183 : memref<10240xf32, #tpu.memory_space<vmem_shared>>) offsets(%dma_start3A_181 : memref<128xi32, #tpu.memory_space<vmem>>) semaphore(%arg9 : memref<!tpu.dma_semaphore, #tpu.memory_space<semaphore_mem>>) {add = true}
      %dma_start3A_184 = arith.constant 1 : i32
      %dma_start3A_185 = arith.constant 1 : i32
      %dma_start3A_186 = arith.constant 0 : i32
      %dma_start3A_187 = tpu.memref_slice %arg7[%dma_start3A_184, %dma_start3A_186] : memref<8x128xf32, #tpu.memory_space<vmem>> -> memref<1x128xf32, #tpu.memory_space<vmem>>
      %dma_start3A_188 = tpu.memref_squeeze %dma_start3A_187 : memref<1x128xf32, #tpu.memory_space<vmem>> -> memref<128xf32, #tpu.memory_space<vmem>>
      %dma_start3A_189 = arith.constant 0 : i32
      %dma_start3A_190 = tpu.memref_slice %arg6[%dma_start3A_185, %dma_start3A_189] : memref<8x128xi32, #tpu.memory_space<vmem>> -> memref<1x128xi32, #tpu.memory_space<vmem>>
      %dma_start3A_191 = tpu.memref_squeeze %dma_start3A_190 : memref<1x128xi32, #tpu.memory_space<vmem>> -> memref<128xi32, #tpu.memory_space<vmem>>
      %dma_start3A_192 = arith.constant 0 : i32
      %dma_start3A_193 = tpu.memref_slice %arg8[%dma_start3A_192] : memref<10240xf32, #tpu.memory_space<vmem_shared>> -> memref<10240xf32, #tpu.memory_space<vmem_shared>>
      tpu.enqueue_indirect_dma source(%dma_start3A_188 : memref<128xf32, #tpu.memory_space<vmem>>) target(%dma_start3A_193 : memref<10240xf32, #tpu.memory_space<vmem_shared>>) offsets(%dma_start3A_191 : memref<128xi32, #tpu.memory_space<vmem>>) semaphore(%arg9 : memref<!tpu.dma_semaphore, #tpu.memory_space<semaphore_mem>>) {add = true}
      %dma_start3A_194 = arith.constant 2 : i32
      %dma_start3A_195 = arith.constant 2 : i32
      %dma_start3A_196 = arith.constant 0 : i32
      %dma_start3A_197 = tpu.memref_slice %arg7[%dma_start3A_194, %dma_start3A_196] : memref<8x128xf32, #tpu.memory_space<vmem>> -> memref<1x128xf32, #tpu.memory_space<vmem>>
      %dma_start3A_198 = tpu.memref_squeeze %dma_start3A_197 : memref<1x128xf32, #tpu.memory_space<vmem>> -> memref<128xf32, #tpu.memory_space<vmem>>
      %dma_start3A_199 = arith.constant 0 : i32
      %dma_start3A_200 = tpu.memref_slice %arg6[%dma_start3A_195, %dma_start3A_199] : memref<8x128xi32, #tpu.memory_space<vmem>> -> memref<1x128xi32, #tpu.memory_space<vmem>>
      %dma_start3A_201 = tpu.memref_squeeze %dma_start3A_200 : memref<1x128xi32, #tpu.memory_space<vmem>> -> memref<128xi32, #tpu.memory_space<vmem>>
      %dma_start3A_202 = arith.constant 0 : i32
      %dma_start3A_203 = tpu.memref_slice %arg8[%dma_start3A_202] : memref<10240xf32, #tpu.memory_space<vmem_shared>> -> memref<10240xf32, #tpu.memory_space<vmem_shared>>
      tpu.enqueue_indirect_dma source(%dma_start3A_198 : memref<128xf32, #tpu.memory_space<vmem>>) target(%dma_start3A_203 : memref<10240xf32, #tpu.memory_space<vmem_shared>>) offsets(%dma_start3A_201 : memref<128xi32, #tpu.memory_space<vmem>>) semaphore(%arg9 : memref<!tpu.dma_semaphore, #tpu.memory_space<semaphore_mem>>) {add = true}
      %dma_start3A_204 = arith.constant 3 : i32
      %dma_start3A_205 = arith.constant 3 : i32
      %dma_start3A_206 = arith.constant 0 : i32
      %dma_start3A_207 = tpu.memref_slice %arg7[%dma_start3A_204, %dma_start3A_206] : memref<8x128xf32, #tpu.memory_space<vmem>> -> memref<1x128xf32, #tpu.memory_space<vmem>>
      %dma_start3A_208 = tpu.memref_squeeze %dma_start3A_207 : memref<1x128xf32, #tpu.memory_space<vmem>> -> memref<128xf32, #tpu.memory_space<vmem>>
      %dma_start3A_209 = arith.constant 0 : i32
      %dma_start3A_210 = tpu.memref_slice %arg6[%dma_start3A_205, %dma_start3A_209] : memref<8x128xi32, #tpu.memory_space<vmem>> -> memref<1x128xi32, #tpu.memory_space<vmem>>
      %dma_start3A_211 = tpu.memref_squeeze %dma_start3A_210 : memref<1x128xi32, #tpu.memory_space<vmem>> -> memref<128xi32, #tpu.memory_space<vmem>>
      %dma_start3A_212 = arith.constant 0 : i32
      %dma_start3A_213 = tpu.memref_slice %arg8[%dma_start3A_212] : memref<10240xf32, #tpu.memory_space<vmem_shared>> -> memref<10240xf32, #tpu.memory_space<vmem_shared>>
      tpu.enqueue_indirect_dma source(%dma_start3A_208 : memref<128xf32, #tpu.memory_space<vmem>>) target(%dma_start3A_213 : memref<10240xf32, #tpu.memory_space<vmem_shared>>) offsets(%dma_start3A_211 : memref<128xi32, #tpu.memory_space<vmem>>) semaphore(%arg9 : memref<!tpu.dma_semaphore, #tpu.memory_space<semaphore_mem>>) {add = true}
      %dma_start3A_214 = arith.constant 4 : i32
      %dma_start3A_215 = arith.constant 4 : i32
      %dma_start3A_216 = arith.constant 0 : i32
      %dma_start3A_217 = tpu.memref_slice %arg7[%dma_start3A_214, %dma_start3A_216] : memref<8x128xf32, #tpu.memory_space<vmem>> -> memref<1x128xf32, #tpu.memory_space<vmem>>
      %dma_start3A_218 = tpu.memref_squeeze %dma_start3A_217 : memref<1x128xf32, #tpu.memory_space<vmem>> -> memref<128xf32, #tpu.memory_space<vmem>>
      %dma_start3A_219 = arith.constant 0 : i32
      %dma_start3A_220 = tpu.memref_slice %arg6[%dma_start3A_215, %dma_start3A_219] : memref<8x128xi32, #tpu.memory_space<vmem>> -> memref<1x128xi32, #tpu.memory_space<vmem>>
      %dma_start3A_221 = tpu.memref_squeeze %dma_start3A_220 : memref<1x128xi32, #tpu.memory_space<vmem>> -> memref<128xi32, #tpu.memory_space<vmem>>
      %dma_start3A_222 = arith.constant 0 : i32
      %dma_start3A_223 = tpu.memref_slice %arg8[%dma_start3A_222] : memref<10240xf32, #tpu.memory_space<vmem_shared>> -> memref<10240xf32, #tpu.memory_space<vmem_shared>>
      tpu.enqueue_indirect_dma source(%dma_start3A_218 : memref<128xf32, #tpu.memory_space<vmem>>) target(%dma_start3A_223 : memref<10240xf32, #tpu.memory_space<vmem_shared>>) offsets(%dma_start3A_221 : memref<128xi32, #tpu.memory_space<vmem>>) semaphore(%arg9 : memref<!tpu.dma_semaphore, #tpu.memory_space<semaphore_mem>>) {add = true}
      %dma_start3A_224 = arith.constant 5 : i32
      %dma_start3A_225 = arith.constant 5 : i32
      %dma_start3A_226 = arith.constant 0 : i32
      %dma_start3A_227 = tpu.memref_slice %arg7[%dma_start3A_224, %dma_start3A_226] : memref<8x128xf32, #tpu.memory_space<vmem>> -> memref<1x128xf32, #tpu.memory_space<vmem>>
      %dma_start3A_228 = tpu.memref_squeeze %dma_start3A_227 : memref<1x128xf32, #tpu.memory_space<vmem>> -> memref<128xf32, #tpu.memory_space<vmem>>
      %dma_start3A_229 = arith.constant 0 : i32
      %dma_start3A_230 = tpu.memref_slice %arg6[%dma_start3A_225, %dma_start3A_229] : memref<8x128xi32, #tpu.memory_space<vmem>> -> memref<1x128xi32, #tpu.memory_space<vmem>>
      %dma_start3A_231 = tpu.memref_squeeze %dma_start3A_230 : memref<1x128xi32, #tpu.memory_space<vmem>> -> memref<128xi32, #tpu.memory_space<vmem>>
      %dma_start3A_232 = arith.constant 0 : i32
      %dma_start3A_233 = tpu.memref_slice %arg8[%dma_start3A_232] : memref<10240xf32, #tpu.memory_space<vmem_shared>> -> memref<10240xf32, #tpu.memory_space<vmem_shared>>
      tpu.enqueue_indirect_dma source(%dma_start3A_228 : memref<128xf32, #tpu.memory_space<vmem>>) target(%dma_start3A_233 : memref<10240xf32, #tpu.memory_space<vmem_shared>>) offsets(%dma_start3A_231 : memref<128xi32, #tpu.memory_space<vmem>>) semaphore(%arg9 : memref<!tpu.dma_semaphore, #tpu.memory_space<semaphore_mem>>) {add = true}
      %dma_start3A_234 = arith.constant 6 : i32
      %dma_start3A_235 = arith.constant 6 : i32
      %dma_start3A_236 = arith.constant 0 : i32
      %dma_start3A_237 = tpu.memref_slice %arg7[%dma_start3A_234, %dma_start3A_236] : memref<8x128xf32, #tpu.memory_space<vmem>> -> memref<1x128xf32, #tpu.memory_space<vmem>>
      %dma_start3A_238 = tpu.memref_squeeze %dma_start3A_237 : memref<1x128xf32, #tpu.memory_space<vmem>> -> memref<128xf32, #tpu.memory_space<vmem>>
      %dma_start3A_239 = arith.constant 0 : i32
      %dma_start3A_240 = tpu.memref_slice %arg6[%dma_start3A_235, %dma_start3A_239] : memref<8x128xi32, #tpu.memory_space<vmem>> -> memref<1x128xi32, #tpu.memory_space<vmem>>
      %dma_start3A_241 = tpu.memref_squeeze %dma_start3A_240 : memref<1x128xi32, #tpu.memory_space<vmem>> -> memref<128xi32, #tpu.memory_space<vmem>>
      %dma_start3A_242 = arith.constant 0 : i32
      %dma_start3A_243 = tpu.memref_slice %arg8[%dma_start3A_242] : memref<10240xf32, #tpu.memory_space<vmem_shared>> -> memref<10240xf32, #tpu.memory_space<vmem_shared>>
      tpu.enqueue_indirect_dma source(%dma_start3A_238 : memref<128xf32, #tpu.memory_space<vmem>>) target(%dma_start3A_243 : memref<10240xf32, #tpu.memory_space<vmem_shared>>) offsets(%dma_start3A_241 : memref<128xi32, #tpu.memory_space<vmem>>) semaphore(%arg9 : memref<!tpu.dma_semaphore, #tpu.memory_space<semaphore_mem>>) {add = true}
      %dma_start3A_244 = arith.constant 7 : i32
      %dma_start3A_245 = arith.constant 7 : i32
      %dma_start3A_246 = arith.constant 0 : i32
      %dma_start3A_247 = tpu.memref_slice %arg7[%dma_start3A_244, %dma_start3A_246] : memref<8x128xf32, #tpu.memory_space<vmem>> -> memref<1x128xf32, #tpu.memory_space<vmem>>
      %dma_start3A_248 = tpu.memref_squeeze %dma_start3A_247 : memref<1x128xf32, #tpu.memory_space<vmem>> -> memref<128xf32, #tpu.memory_space<vmem>>
      %dma_start3A_249 = arith.constant 0 : i32
      %dma_start3A_250 = tpu.memref_slice %arg6[%dma_start3A_245, %dma_start3A_249] : memref<8x128xi32, #tpu.memory_space<vmem>> -> memref<1x128xi32, #tpu.memory_space<vmem>>
      %dma_start3A_251 = tpu.memref_squeeze %dma_start3A_250 : memref<1x128xi32, #tpu.memory_space<vmem>> -> memref<128xi32, #tpu.memory_space<vmem>>
      %dma_start3A_252 = arith.constant 0 : i32
      %dma_start3A_253 = tpu.memref_slice %arg8[%dma_start3A_252] : memref<10240xf32, #tpu.memory_space<vmem_shared>> -> memref<10240xf32, #tpu.memory_space<vmem_shared>>
      tpu.enqueue_indirect_dma source(%dma_start3A_248 : memref<128xf32, #tpu.memory_space<vmem>>) target(%dma_start3A_253 : memref<10240xf32, #tpu.memory_space<vmem_shared>>) offsets(%dma_start3A_251 : memref<128xi32, #tpu.memory_space<vmem>>) semaphore(%arg9 : memref<!tpu.dma_semaphore, #tpu.memory_space<semaphore_mem>>) {add = true}
      %dma_wait3A = arith.constant 0 : i32
      %dma_wait3A_254 = arith.constant 0 : i32
      %dma_wait3A_255 = arith.constant 0 : i32
      %dma_wait3A_256 = tpu.memref_slice %arg7[%dma_wait3A, %dma_wait3A_255] : memref<8x128xf32, #tpu.memory_space<vmem>> -> memref<1x128xf32, #tpu.memory_space<vmem>>
      %dma_wait3A_257 = tpu.memref_squeeze %dma_wait3A_256 : memref<1x128xf32, #tpu.memory_space<vmem>> -> memref<128xf32, #tpu.memory_space<vmem>>
      %dma_wait3A_258 = arith.constant 0 : i32
      %dma_wait3A_259 = tpu.memref_slice %arg6[%dma_wait3A_254, %dma_wait3A_258] : memref<8x128xi32, #tpu.memory_space<vmem>> -> memref<1x128xi32, #tpu.memory_space<vmem>>
      %dma_wait3A_260 = tpu.memref_squeeze %dma_wait3A_259 : memref<1x128xi32, #tpu.memory_space<vmem>> -> memref<128xi32, #tpu.memory_space<vmem>>
      %dma_wait3A_261 = arith.constant 0 : i32
      %dma_wait3A_262 = tpu.memref_slice %arg8[%dma_wait3A_261] : memref<10240xf32, #tpu.memory_space<vmem_shared>> -> memref<10240xf32, #tpu.memory_space<vmem_shared>>
      tpu.wait_indirect_dma semaphore(%arg9 : memref<!tpu.dma_semaphore, #tpu.memory_space<semaphore_mem>>) src(%dma_wait3A_257 : memref<128xf32, #tpu.memory_space<vmem>>) dst(%dma_wait3A_262 : memref<10240xf32, #tpu.memory_space<vmem_shared>>)
      %dma_wait3A_263 = arith.constant 1 : i32
      %dma_wait3A_264 = arith.constant 1 : i32
      %dma_wait3A_265 = arith.constant 0 : i32
      %dma_wait3A_266 = tpu.memref_slice %arg7[%dma_wait3A_263, %dma_wait3A_265] : memref<8x128xf32, #tpu.memory_space<vmem>> -> memref<1x128xf32, #tpu.memory_space<vmem>>
      %dma_wait3A_267 = tpu.memref_squeeze %dma_wait3A_266 : memref<1x128xf32, #tpu.memory_space<vmem>> -> memref<128xf32, #tpu.memory_space<vmem>>
      %dma_wait3A_268 = arith.constant 0 : i32
      %dma_wait3A_269 = tpu.memref_slice %arg6[%dma_wait3A_264, %dma_wait3A_268] : memref<8x128xi32, #tpu.memory_space<vmem>> -> memref<1x128xi32, #tpu.memory_space<vmem>>
      %dma_wait3A_270 = tpu.memref_squeeze %dma_wait3A_269 : memref<1x128xi32, #tpu.memory_space<vmem>> -> memref<128xi32, #tpu.memory_space<vmem>>
      %dma_wait3A_271 = arith.constant 0 : i32
      %dma_wait3A_272 = tpu.memref_slice %arg8[%dma_wait3A_271] : memref<10240xf32, #tpu.memory_space<vmem_shared>> -> memref<10240xf32, #tpu.memory_space<vmem_shared>>
      tpu.wait_indirect_dma semaphore(%arg9 : memref<!tpu.dma_semaphore, #tpu.memory_space<semaphore_mem>>) src(%dma_wait3A_267 : memref<128xf32, #tpu.memory_space<vmem>>) dst(%dma_wait3A_272 : memref<10240xf32, #tpu.memory_space<vmem_shared>>)
      %dma_wait3A_273 = arith.constant 2 : i32
      %dma_wait3A_274 = arith.constant 2 : i32
      %dma_wait3A_275 = arith.constant 0 : i32
      %dma_wait3A_276 = tpu.memref_slice %arg7[%dma_wait3A_273, %dma_wait3A_275] : memref<8x128xf32, #tpu.memory_space<vmem>> -> memref<1x128xf32, #tpu.memory_space<vmem>>
      %dma_wait3A_277 = tpu.memref_squeeze %dma_wait3A_276 : memref<1x128xf32, #tpu.memory_space<vmem>> -> memref<128xf32, #tpu.memory_space<vmem>>
      %dma_wait3A_278 = arith.constant 0 : i32
      %dma_wait3A_279 = tpu.memref_slice %arg6[%dma_wait3A_274, %dma_wait3A_278] : memref<8x128xi32, #tpu.memory_space<vmem>> -> memref<1x128xi32, #tpu.memory_space<vmem>>
      %dma_wait3A_280 = tpu.memref_squeeze %dma_wait3A_279 : memref<1x128xi32, #tpu.memory_space<vmem>> -> memref<128xi32, #tpu.memory_space<vmem>>
      %dma_wait3A_281 = arith.constant 0 : i32
      %dma_wait3A_282 = tpu.memref_slice %arg8[%dma_wait3A_281] : memref<10240xf32, #tpu.memory_space<vmem_shared>> -> memref<10240xf32, #tpu.memory_space<vmem_shared>>
      tpu.wait_indirect_dma semaphore(%arg9 : memref<!tpu.dma_semaphore, #tpu.memory_space<semaphore_mem>>) src(%dma_wait3A_277 : memref<128xf32, #tpu.memory_space<vmem>>) dst(%dma_wait3A_282 : memref<10240xf32, #tpu.memory_space<vmem_shared>>)
      %dma_wait3A_283 = arith.constant 3 : i32
      %dma_wait3A_284 = arith.constant 3 : i32
      %dma_wait3A_285 = arith.constant 0 : i32
      %dma_wait3A_286 = tpu.memref_slice %arg7[%dma_wait3A_283, %dma_wait3A_285] : memref<8x128xf32, #tpu.memory_space<vmem>> -> memref<1x128xf32, #tpu.memory_space<vmem>>
      %dma_wait3A_287 = tpu.memref_squeeze %dma_wait3A_286 : memref<1x128xf32, #tpu.memory_space<vmem>> -> memref<128xf32, #tpu.memory_space<vmem>>
      %dma_wait3A_288 = arith.constant 0 : i32
      %dma_wait3A_289 = tpu.memref_slice %arg6[%dma_wait3A_284, %dma_wait3A_288] : memref<8x128xi32, #tpu.memory_space<vmem>> -> memref<1x128xi32, #tpu.memory_space<vmem>>
      %dma_wait3A_290 = tpu.memref_squeeze %dma_wait3A_289 : memref<1x128xi32, #tpu.memory_space<vmem>> -> memref<128xi32, #tpu.memory_space<vmem>>
      %dma_wait3A_291 = arith.constant 0 : i32
      %dma_wait3A_292 = tpu.memref_slice %arg8[%dma_wait3A_291] : memref<10240xf32, #tpu.memory_space<vmem_shared>> -> memref<10240xf32, #tpu.memory_space<vmem_shared>>
      tpu.wait_indirect_dma semaphore(%arg9 : memref<!tpu.dma_semaphore, #tpu.memory_space<semaphore_mem>>) src(%dma_wait3A_287 : memref<128xf32, #tpu.memory_space<vmem>>) dst(%dma_wait3A_292 : memref<10240xf32, #tpu.memory_space<vmem_shared>>)
      %dma_wait3A_293 = arith.constant 4 : i32
      %dma_wait3A_294 = arith.constant 4 : i32
      %dma_wait3A_295 = arith.constant 0 : i32
      %dma_wait3A_296 = tpu.memref_slice %arg7[%dma_wait3A_293, %dma_wait3A_295] : memref<8x128xf32, #tpu.memory_space<vmem>> -> memref<1x128xf32, #tpu.memory_space<vmem>>
      %dma_wait3A_297 = tpu.memref_squeeze %dma_wait3A_296 : memref<1x128xf32, #tpu.memory_space<vmem>> -> memref<128xf32, #tpu.memory_space<vmem>>
      %dma_wait3A_298 = arith.constant 0 : i32
      %dma_wait3A_299 = tpu.memref_slice %arg6[%dma_wait3A_294, %dma_wait3A_298] : memref<8x128xi32, #tpu.memory_space<vmem>> -> memref<1x128xi32, #tpu.memory_space<vmem>>
      %dma_wait3A_300 = tpu.memref_squeeze %dma_wait3A_299 : memref<1x128xi32, #tpu.memory_space<vmem>> -> memref<128xi32, #tpu.memory_space<vmem>>
      %dma_wait3A_301 = arith.constant 0 : i32
      %dma_wait3A_302 = tpu.memref_slice %arg8[%dma_wait3A_301] : memref<10240xf32, #tpu.memory_space<vmem_shared>> -> memref<10240xf32, #tpu.memory_space<vmem_shared>>
      tpu.wait_indirect_dma semaphore(%arg9 : memref<!tpu.dma_semaphore, #tpu.memory_space<semaphore_mem>>) src(%dma_wait3A_297 : memref<128xf32, #tpu.memory_space<vmem>>) dst(%dma_wait3A_302 : memref<10240xf32, #tpu.memory_space<vmem_shared>>)
      %dma_wait3A_303 = arith.constant 5 : i32
      %dma_wait3A_304 = arith.constant 5 : i32
      %dma_wait3A_305 = arith.constant 0 : i32
      %dma_wait3A_306 = tpu.memref_slice %arg7[%dma_wait3A_303, %dma_wait3A_305] : memref<8x128xf32, #tpu.memory_space<vmem>> -> memref<1x128xf32, #tpu.memory_space<vmem>>
      %dma_wait3A_307 = tpu.memref_squeeze %dma_wait3A_306 : memref<1x128xf32, #tpu.memory_space<vmem>> -> memref<128xf32, #tpu.memory_space<vmem>>
      %dma_wait3A_308 = arith.constant 0 : i32
      %dma_wait3A_309 = tpu.memref_slice %arg6[%dma_wait3A_304, %dma_wait3A_308] : memref<8x128xi32, #tpu.memory_space<vmem>> -> memref<1x128xi32, #tpu.memory_space<vmem>>
      %dma_wait3A_310 = tpu.memref_squeeze %dma_wait3A_309 : memref<1x128xi32, #tpu.memory_space<vmem>> -> memref<128xi32, #tpu.memory_space<vmem>>
      %dma_wait3A_311 = arith.constant 0 : i32
      %dma_wait3A_312 = tpu.memref_slice %arg8[%dma_wait3A_311] : memref<10240xf32, #tpu.memory_space<vmem_shared>> -> memref<10240xf32, #tpu.memory_space<vmem_shared>>
      tpu.wait_indirect_dma semaphore(%arg9 : memref<!tpu.dma_semaphore, #tpu.memory_space<semaphore_mem>>) src(%dma_wait3A_307 : memref<128xf32, #tpu.memory_space<vmem>>) dst(%dma_wait3A_312 : memref<10240xf32, #tpu.memory_space<vmem_shared>>)
      %dma_wait3A_313 = arith.constant 6 : i32
      %dma_wait3A_314 = arith.constant 6 : i32
      %dma_wait3A_315 = arith.constant 0 : i32
      %dma_wait3A_316 = tpu.memref_slice %arg7[%dma_wait3A_313, %dma_wait3A_315] : memref<8x128xf32, #tpu.memory_space<vmem>> -> memref<1x128xf32, #tpu.memory_space<vmem>>
      %dma_wait3A_317 = tpu.memref_squeeze %dma_wait3A_316 : memref<1x128xf32, #tpu.memory_space<vmem>> -> memref<128xf32, #tpu.memory_space<vmem>>
      %dma_wait3A_318 = arith.constant 0 : i32
      %dma_wait3A_319 = tpu.memref_slice %arg6[%dma_wait3A_314, %dma_wait3A_318] : memref<8x128xi32, #tpu.memory_space<vmem>> -> memref<1x128xi32, #tpu.memory_space<vmem>>
      %dma_wait3A_320 = tpu.memref_squeeze %dma_wait3A_319 : memref<1x128xi32, #tpu.memory_space<vmem>> -> memref<128xi32, #tpu.memory_space<vmem>>
      %dma_wait3A_321 = arith.constant 0 : i32
      %dma_wait3A_322 = tpu.memref_slice %arg8[%dma_wait3A_321] : memref<10240xf32, #tpu.memory_space<vmem_shared>> -> memref<10240xf32, #tpu.memory_space<vmem_shared>>
      tpu.wait_indirect_dma semaphore(%arg9 : memref<!tpu.dma_semaphore, #tpu.memory_space<semaphore_mem>>) src(%dma_wait3A_317 : memref<128xf32, #tpu.memory_space<vmem>>) dst(%dma_wait3A_322 : memref<10240xf32, #tpu.memory_space<vmem_shared>>)
      %dma_wait3A_323 = arith.constant 7 : i32
      %dma_wait3A_324 = arith.constant 7 : i32
      %dma_wait3A_325 = arith.constant 0 : i32
      %dma_wait3A_326 = tpu.memref_slice %arg7[%dma_wait3A_323, %dma_wait3A_325] : memref<8x128xf32, #tpu.memory_space<vmem>> -> memref<1x128xf32, #tpu.memory_space<vmem>>
      %dma_wait3A_327 = tpu.memref_squeeze %dma_wait3A_326 : memref<1x128xf32, #tpu.memory_space<vmem>> -> memref<128xf32, #tpu.memory_space<vmem>>
      %dma_wait3A_328 = arith.constant 0 : i32
      %dma_wait3A_329 = tpu.memref_slice %arg6[%dma_wait3A_324, %dma_wait3A_328] : memref<8x128xi32, #tpu.memory_space<vmem>> -> memref<1x128xi32, #tpu.memory_space<vmem>>
      %dma_wait3A_330 = tpu.memref_squeeze %dma_wait3A_329 : memref<1x128xi32, #tpu.memory_space<vmem>> -> memref<128xi32, #tpu.memory_space<vmem>>
      %dma_wait3A_331 = arith.constant 0 : i32
      %dma_wait3A_332 = tpu.memref_slice %arg8[%dma_wait3A_331] : memref<10240xf32, #tpu.memory_space<vmem_shared>> -> memref<10240xf32, #tpu.memory_space<vmem_shared>>
      tpu.wait_indirect_dma semaphore(%arg9 : memref<!tpu.dma_semaphore, #tpu.memory_space<semaphore_mem>>) src(%dma_wait3A_327 : memref<128xf32, #tpu.memory_space<vmem>>) dst(%dma_wait3A_332 : memref<10240xf32, #tpu.memory_space<vmem_shared>>)
    }
    %scan3A_167 = arith.constant 10 : i32
    %barrier3A_168 = arith.constant 0 : index
    tpu.barrier barrier_id(%barrier3A_168)
    "tpu.region"() ({
      %run_scoped3A = tpu.sem_alloc : memref<!tpu.dma_semaphore, #tpu.memory_space<semaphore_mem>>
      %dma_start3A = tpu.memref_slice %arg4[%arg0, %mul3A_162] : memref<2x10240xf32, #tpu.memory_space<hbm>> -> memref<1x640xf32, #tpu.memory_space<hbm>>
      %dma_start3A_169 = tpu.memref_squeeze %dma_start3A : memref<1x640xf32, #tpu.memory_space<hbm>> -> memref<640xf32, #tpu.memory_space<hbm>>
      %dma_start3A_170 = tpu.memref_slice %arg8[%mul3A_162] : memref<10240xf32, #tpu.memory_space<vmem_shared>> -> memref<640xf32, #tpu.memory_space<vmem_shared>>
      tpu.enqueue_dma source(%dma_start3A_170 : memref<640xf32, #tpu.memory_space<vmem_shared>>) target(%dma_start3A_169 : memref<640xf32, #tpu.memory_space<hbm>>) target_semaphore(%run_scoped3A : memref<!tpu.dma_semaphore, #tpu.memory_space<semaphore_mem>>)
      %dma_wait3A = tpu.memref_slice %arg4[%arg0, %mul3A_162] : memref<2x10240xf32, #tpu.memory_space<hbm>> -> memref<1x640xf32, #tpu.memory_space<hbm>>
      %dma_wait3A_171 = tpu.memref_squeeze %dma_wait3A : memref<1x640xf32, #tpu.memory_space<hbm>> -> memref<640xf32, #tpu.memory_space<hbm>>
      %dma_wait3A_172 = tpu.memref_slice %arg8[%mul3A_162] : memref<10240xf32, #tpu.memory_space<vmem_shared>> -> memref<640xf32, #tpu.memory_space<vmem_shared>>
      tpu.wait_dma2 semaphore(%run_scoped3A : memref<!tpu.dma_semaphore, #tpu.memory_space<semaphore_mem>>) src(%dma_wait3A_172 : memref<640xf32, #tpu.memory_space<vmem_shared>>) dst(%dma_wait3A_171 : memref<640xf32, #tpu.memory_space<hbm>>)
      tpu.yield
    }) : () -> ()
    return
  }
}

</mosaic_0001>

<sc_bundles>
// kernel: _degree.3.cloned.1.call-start
scs
__scs_entry_jumppad:
0x0: {  	(pc) =	sbr.rel $0x88, $3  }
0x1: {  	(tag) =	ssettag $0x0;
	lr =	simm.s32 $0x1  }
0x2: {  	[smem:$0x3F9F] =	sst lr;
	_ =	strace $0xD0000000  }
0x3: {  	_ = 	snop  }
0x4: {  	_ = 	snop  }
0x5: {  	_ = 	snop  }
0x6: {  	_ = 	snop  }
0x7: {  	_ = 	snop  }
__scs_overlays_trampoline_lowered:
0x8: {  	[smem:$0x3FAE] =	sst s0  }
0x9: {  	[smem:$0x3FAF] =	sst s1  }
0xa: {  	[smem:$0x3FB0] =	sst s2  }
0xb: {  	[smem:$0x3FB1] =	sst s3  }
0xc: {  	[smem:$0x3FB2] =	sst s4  }
0xd: {  	[smem:$0x3FB3] =	sst s5  }
0xe: {  	[smem:$0x3FB4] =	sst s6  }
0xf: {  	[smem:$0x3FB5] =	sst s7  }
0x10: {  	[smem:$0x3FB6] =	sst s8  }
0x11: {  	[smem:$0x3FB7] =	sst s9;
	s0 =	simm.s32 @!p0 $0x0  }
0x12: {  	s1 =	sld [smem:$0x3F9D];
	s0 =	simm.s32 @p0 $0x1  }
0x13: {  	[smem:$0x3FB8] =	sst s0;
	s0 =	simm.s32 @!p1 $0x0  }
0x14: {  	s2 =	sld [smem:$0x3F9C];
	s0 =	simm.s32 @p1 $0x1  }
0x15: {  	[smem:$0x3FB9] =	sst s0;
	s0 =	simm.s32 @!p2 $0x0  }
0x16: {  	s3 =	sld [smem:$0x3FDB];
	s0 =	simm.s32 @p2 $0x1  }
0x17: {  	s4 =	simm.s32 $0x1BF5;
	[smem:$0x3FBB] =	sst s0  }
0x18: {  	s0 =	sld [smem:$0x3F9E];
	_ =	swait.ge [sflag:s4], $0x0  }
0x19: {  	s7 =	sld [smem:$0x3F9F]  }
0x1a: {  	s8 =	sadd.s32 $0xFFFFE003, lr  }
0x1b: {  	s9 =	sadd.s32 $0xFFFFFEF7, lr;
	s5 =	simm.s32 $0xFFFFFFFF;
	p2 =	slt.u32 s8, $0xFFFFF086  }
0x1c: {  	p1 =	slt.u32 s9, $0xF7A;
	s5 =	simm.s32 @!p2 $0x0  }
0x1d: {  	s5 =	simm.s32 @p1 $0x1;
	p0 =	seq.s32 s7, s2  }
0x1e: {  	s7 =	smul.u32 @!p0 $0xF7A, s2;
	p2 =	seq.s32 @!p0 s5, $0x0  }
0x1f: {  	s9 =	smul.u32 $0xF7A, s1;
	s8 =	simm.s32 @!p0 $0x1BF5;
	p2 =	por !p2, p0  }
0x20: {  	[sflag:s8] =	ssyncset.s32 @!p0 $0xFFFFF086;
	s6 =	sadd.s32 @!p0 s3, s7;
	s7 =	simm.s32 @!p0 $0x108  }
0x21: {  	s3 =	sadd.s32 s3, s9;
	s6 =	sadd.s32 @!p0 $0x88, s6;
	s7 =	simm.s32 @p2 $0x1082  }
0x22: {  	[simem:s7], [sflag:s8] =	dma.local @!p0 [hbm:s6], $0xF7A  }
0x23: {  	s9 =	sor.u32 $0xD0000000, s2;
	s6 =	simm.s32 $0x108;
	_ =	swait.ge @!p0 [sflag:s8], $0x0  }
0x24: {  	s3 =	sadd.s32 $0x88, s3;
	s6 =	simm.s32 @!p1 $0x1082;
	[sflag:s4] =	ssyncset.s32 $0xFFFFF086  }
0x25: {  	[simem:s6], [sflag:s4] =	dma.local [hbm:s3], $0xF7A  }
0x26: {  	[smem:$0x3F9F] =	sst s1;
	(tag) =	ssettag s2;
	_ =	strace s9  }
0x27: {  	s1 =	sld [smem:$0x3FAF]  }
0x28: {  	s2 =	sld [smem:$0x3FB0]  }
0x29: {  	s4 =	sld [smem:$0x3FB2]  }
0x2a: {  	p0 =	seq.s32 s5, $0x0;
	s5 =	sld [smem:$0x3FB3]  }
0x2b: {  	s6 =	sld [smem:$0x3FB4]  }
0x2c: {  	s7 =	sld [smem:$0x3FB5]  }
0x2d: {  	s3 =	simm.s32 $0x108;
	s8 =	sld [smem:$0x3FB6]  }
0x2e: {  	s3 =	simm.s32 @!p0 $0x1082;
	s9 =	sld [smem:$0x3FB7]  }
0x2f: {  	lr =	sadd.s32 s0, s3;
	s0 =	sld [smem:$0x3FAE]  }
0x30: {  	s3 =	sld [smem:$0x3FB1]  }
0x31: {  	[smem:$0x3FBA] =	sst s10  }
0x32: {  	s10 =	sld [smem:$0x3FB8];
	_ =	sdelay $0x3  }
0x33: {  	p0 =	seq.s32 s10, $0x1;
	s10 =	sld [smem:$0x3FBA];
	_ =	sdelay $0x3  }
0x34: {  	[smem:$0x3FBA] =	sst s10  }
0x35: {  	s10 =	sld [smem:$0x3FB9];
	_ =	sdelay $0x3  }
0x36: {  	p1 =	seq.s32 s10, $0x1;
	s10 =	sld [smem:$0x3FBA];
	_ =	sdelay $0x3  }
0x37: {  	[smem:$0x3FBA] =	sst s10  }
0x38: {  	s10 =	sld [smem:$0x3FBB]  }
0x39: {  	_ = 	snop;
	(pc) =	sbr.ind lr, $3  }
0x3a: {  	_ = 	snop  }
0x3b: {  	_ = 	snop  }
0x3c: {  	p2 =	seq.s32 s10, $0x1;
	s10 =	sld [smem:$0x3FBA]  }
0x3d: {  	_ =	shalt  }
0x3e: {  	_ =	shalt  }
0x3f: {  	_ =	shalt  }
0x40: {  	_ =	shalt  }
0x41: {  	_ =	shalt  }
0x42: {  	_ =	shalt  }
0x43: {  	_ =	shalt  }
0x44: {  	_ =	shalt  }
0x45: {  	_ =	shalt  }
0x46: {  	_ =	shalt  }
0x47: {  	_ =	shalt  }
0x48: {  	_ =	shalt  }
0x49: {  	_ =	shalt  }
0x4a: {  	_ =	shalt  }
0x4b: {  	_ =	shalt  }
0x4c: {  	_ =	shalt  }
0x4d: {  	_ =	shalt  }
0x4e: {  	_ =	shalt  }
0x4f: {  	_ =	shalt  }
0x50: {  	_ =	shalt  }
0x51: {  	_ =	shalt  }
0x52: {  	_ =	shalt  }
0x53: {  	_ =	shalt  }
0x54: {  	_ =	shalt  }
0x55: {  	_ =	shalt  }
0x56: {  	_ =	shalt  }
0x57: {  	_ =	shalt  }
0x58: {  	_ =	shalt  }
0x59: {  	_ =	shalt  }
0x5a: {  	_ =	shalt  }
0x5b: {  	_ =	shalt  }
0x5c: {  	_ =	shalt  }
0x5d: {  	_ =	shalt  }
0x5e: {  	_ =	shalt  }
0x5f: {  	_ =	shalt  }
0x60: {  	_ =	shalt  }
0x61: {  	_ =	shalt  }
0x62: {  	_ =	shalt  }
0x63: {  	_ =	shalt  }
0x64: {  	_ =	shalt  }
0x65: {  	_ =	shalt  }
0x66: {  	_ =	shalt  }
0x67: {  	_ =	shalt  }
0x68: {  	_ =	shalt  }
0x69: {  	_ =	shalt  }
0x6a: {  	_ =	shalt  }
0x6b: {  	_ =	shalt  }
0x6c: {  	_ =	shalt  }
0x6d: {  	_ =	shalt  }
0x6e: {  	_ =	shalt  }
0x6f: {  	_ =	shalt  }
0x70: {  	_ =	shalt  }
0x71: {  	_ =	shalt  }
0x72: {  	_ =	shalt  }
0x73: {  	_ =	shalt  }
0x74: {  	_ =	shalt  }
0x75: {  	_ =	shalt  }
0x76: {  	_ =	shalt  }
0x77: {  	_ =	shalt  }
0x78: {  	_ =	shalt  }
0x79: {  	_ =	shalt  }
0x7a: {  	_ =	shalt  }
0x7b: {  	_ =	shalt  }
0x7c: {  	_ =	shalt  }
0x7d: {  	_ =	shalt  }
0x7e: {  	_ =	shalt  }
0x7f: {  	_ =	shalt  }
0x80: {  	_ =	shalt  }
0x81: {  	_ =	shalt  }
0x82: {  	_ =	shalt  }
0x83: {  	_ =	shalt  }
0x84: {  	_ =	shalt  }
0x85: {  	_ =	shalt  }
0x86: {  	_ =	shalt  }
0x87: {  	_ =	shalt  }
.Lfunc_end0:
.L_simem_size_0:
called_computation_lowered:
.L_overlay_start_0:
0x88: {  	s2 =	sld [smem:$0x3FD9]  }
0x89: {  	s3 =	sld [smem:$0x3FFE];
	_ =	sdelay $0x1  }
0x8a: {  	s1 =	srdreg.scid  }
0x8b: {  	s0 =	sand.u32 $0x1, s1  }
0x8c: {  	s18 =	sshll.u32 s0, $0xA;
	s2 =	sadd.s32 s3, s2  }
0x8d: {  	s2 =	sadd.s32 s2, s18  }
0x8e: {  	[smem:$0x3FC6] =	sst s2  }
0x8f: {  	_ = 	snop  }
0x90: {  	s2 =	sld [smem:$0x3FC9]  }
0x91: {  	s19 =	sld [smem:$0x3FC8]  }
0x92: {  	s4 =	sld [smem:$0x3FD0];
	(tm) =	ssettm $0x1  }
0x93: {  	s5 =	sld [smem:$0x3FFB];
	_ =	sdelay $0x3  }
0x94: {  	_ =	strace s5  }
0x95: {  	s5 =	sld [smem:$0x3FFC];
	_ =	sdelay $0x3  }
0x96: {  	_ =	strace s5  }
0x97: {  	s5 =	sld [smem:$0x3FFD];
	_ =	sdelay $0x3  }
0x98: {  	_ =	strace s5  }
0x99: {  	_ =	strace $0x8FFFFFFF  }
0x9a: {  	s20 =	sld [smem:$0x3FDB];
	_ =	sdelay $0x1  }
0x9b: {  	s6 =	simm.s32 $_scs_section_size  }
0x9c: {  	s7 =	simm.s32 $_size__tile_overlayer_lowered;
	s8 =	simm.s32 $_tile_overlayer_lowered  }
0x9d: {  	s23 =	simm.s32 $0x1BFF;
	s22 =	sshll.u32 s8, $0x1;
	s5 =	sadd.s32 s6, s20  }
0x9e: {  	s9 =	simm.s32 $0x0;
	s21 =	sshll.u32 s7, $0x1;
	s7 =	sadd.s32 s22, s5  }
0x9f: {  	[timem:s9], [sflag:s23] =	dma.local [hbm:s7], s21  }
0xa0: {  	_ =	swait.ge [sflag:s23], s21  }
0xa1: {  	s6 =	ssub.s32 $0x0, s21;
	[sflag:s23] =	ssyncset.done $0x0  }
0xa2: {  	[sflag:s23] =	ssyncadd.s32 s6;
	_ =	sdelay $0x1  }
0xa3: {  	s24 =	simm.s32 $0x1B8B  }
0xa4: {  	_ =	swait.ge [sflag:s24], $0x1  }
0xa5: {  	[sflag:s24] =	ssyncset.done $0x0  }
0xa6: {  	s25 =	simm.s32 $0x1B8E;
	[sflag:s24] =	ssyncadd.s32 $0xFFFFFFFF  }
0xa7: {  	s26 =	simm.s32 $execute0_lowered;
	[smem:$0x3FD2] =	sst s25  }
0xa8: {  	s6 =	sshll.u32 s26, $0x1;
	_ =	strace $0x80000046;
	[dreg:$0x1] =	wrdreg $0xFFFFFFFF  }
0xa9: {  	s28 =	simm.s32 $_size_execute0_lowered;
	s5 =	sadd.s32 s5, s6;
	[dreg:$0x0] =	wrdreg $0x0  }
0xaa: {  	s6 =	sshll.u32 s28, $0x1;
	[dreg:$0x2] =	wrdreg s5  }
0xab: {  	[dreg:$0x3] =	wrdreg s6  }
0xac: {  	[dreg:$0x4] =	wrdreg $0xC0  }
0xad: {  	_ =	task [dreg:s9], $0x5FFFF  }
0xae: {  	[dreg:$0x1] =	wrdreg $0xFFFFFFFF  }
0xaf: {  	[dreg:$0x0] =	wrdreg $0x60  }
0xb0: {  	[dreg:$0x2] =	wrdreg s2  }
0xb1: {  	[dreg:$0x3] =	wrdreg s19  }
0xb2: {  	[dreg:$0x4] =	wrdreg s4  }
0xb3: {  	[dreg:$0x5] =	wrdreg $0xA800  }
0xb4: {  	[dreg:$0x6] =	wrdreg $0x9  }
0xb5: {  	_ =	task.clear_ibuf [dreg:s9], $0x7FFFF;
	_ =	strace $0x90000046  }
0xb6: {  	s29 =	simm.s32 $0x9;
	_ =	strace $0x80000048  }
0xb7: {  	_ =	swait.ge [sflag:s29], $0x1  }
0xb8: {  	[sflag:s29] =	ssyncadd.s32 $0xFFFFFFFF  }
0xb9: {  	_ =	strace $0x90000048  }
0xba: {  	_ =	sfence  }
0xbb: {  	s30 =	sld [smem:$0x0];
	_ =	sdelay $0x2  }
0xbc: {  	s31 =	sshll.u32 s1, $0xD;
	s1 =	sshrl.u32 s1, $0x2  }
0xbd: {  	s3 =	sand.u32 $0x4000, s31;
	s1 =	sadd.s32 s1, s30  }
0xbe: {  	s0 =	sor.u32 s3, s0;
	s1 =	sshll.u32 s1, $0x11  }
0xbf: {  	s0 =	sor.u32 s1, s0  }
0xc0: {  	s0 =	sadd.s32 $0x8F2B, s0  }
0xc1: {  	[sflag:s0] =	ssyncadd.remote.s32 $0x1  }
0xc2: {  	_ =	sfence.sel $0xFFFF  }
0xc3: {  	[dreg:$0x0] =	wrdreg $0xFFFFFFFF;
	(pc) =	sbr.abs _section_cstart, $3  }
0xc4: {  	[dreg:$0x1] =	wrdreg $0xFFFFFFFF  }
0xc5: {  	_ =	task.clear_ibuf [dreg:s9], $0x2FFFF;
	_ =	strace $0x9FFFFFFF  }
0xc6: {  	(tm) =	ssettm $0x7FFFFFFF  }
0xc7: {  	_ =	shalt  }
tec
execute0_lowered:
.L_overlay_start_1:
0x0: {  	(tag) =	ssettag $0x1  }
0x1: {  	s0 =	rddreg [dreg:$0x0]  }
0x2: {  	s1 =	rddreg [dreg:$0x1]  }
0x3: {  	s5 =	rddreg [dreg:$0x2]  }
0x4: {  	s2 =	rddreg [dreg:$0x3];
	s3 =	simm.s32 $0x0;
	s4 =	srdreg.scid  }
0x5: {  	s7 =	stileid.u32;
	s12 =	simm.s32 $0x80;
	s13 =	simm.s32 $0x300  }
0x6: {  	s14 =	simm.s32 $0x700;
	s15 =	simm.s32 $0x380;
	s16 =	simm.s32 $0x780  }
0x7: {  	s17 =	simm.s32 $0x400;
	s18 =	simm.s32 $0x800;
	s19 =	simm.s32 $0x480  }
0x8: {  	s20 =	simm.s32 $0x880;
	s21 =	simm.s32 $0x500;
	s22 =	simm.s32 $0x900  }
0x9: {  	s23 =	simm.s32 $0x580;
	s24 =	simm.s32 $0x980;
	s25 =	simm.s32 $0x600  }
0xa: {  	s26 =	simm.s32 $0xA00;
	s28 =	simm.s32 $0x1;
	s31 =	simm.s32 $0x0  }
0xb: {  	[smem:$0x7FF] =	sst s3;
	s4 =	sand.u32 $0x1, s4;
	s8 =	smul.u32 $0x500, s7  }
0xc: {  	s7 =	smul.u32 $0xA00, s7;
	s6 =	ssub.s32 $0x2, s4;
	s9 =	sshll.u32 s4, $0x7  }
0xd: {  	_ =	strace $0x80000047;
	s11 =	smul.u32 $0x5000, s4;
	s9 =	sor.u32 s9, s8  }
0xe: {  	s10 =	sshrl.u32 s6, $0x1;
	s7 =	sshrl.u32 s7, $0x2;
	s9 =	sshrl.u32 s9, $0x3  }
0xf: {  	s6 =	ssub.s32 s6, s10;
	s4 =	sadd.s32 s7, s2;
	s1 =	sadd.s32 s11, s1  }
0x10: {  	s0 =	sadd.s32 s11, s0;
	s10 =	simm.s32 $0x280;
	s11 =	simm.s32 $0x680  }
0x11: {  	s5 =	sadd.s32 s5, s9;
	s6 =	smax.u32 s6, $0x1;
	s7 =	sadd.s32 s8, s1  }
0x12: {  	v0 =	vimm.f32 $0.0e+00;
	s8 =	sadd.s32 s8, s0;
	s9 =	simm.s32 $0x2;
	[dreg:$0x5] =	wrdreg s5  }
.LBB2_1:
0x13: {  	[tilespmem:$0x0] =	vst v0  }
0x14: {  	[tilespmem:$0x10] =	vst v0  }
0x15: {  	[tilespmem:$0x20] =	vst v0  }
0x16: {  	[tilespmem:$0x30] =	vst v0  }
0x17: {  	[tilespmem:$0x40] =	vst v0  }
0x18: {  	[tilespmem:$0x50] =	vst v0  }
0x19: {  	[tilespmem:$0x60] =	vst v0  }
0x1a: {  	[tilespmem:$0x70] =	vst v0  }
0x1b: {  	[tilespmem:$0x80] =	vst v0  }
0x1c: {  	[tilespmem:$0x90] =	vst v0  }
0x1d: {  	[tilespmem:$0xA0] =	vst v0  }
0x1e: {  	[tilespmem:$0xB0] =	vst v0  }
0x1f: {  	[tilespmem:$0xC0] =	vst v0  }
0x20: {  	[tilespmem:$0xD0] =	vst v0  }
0x21: {  	[tilespmem:$0xE0] =	vst v0  }
0x22: {  	[tilespmem:$0xF0] =	vst v0  }
0x23: {  	[tilespmem:$0x100] =	vst v0  }
0x24: {  	[tilespmem:$0x110] =	vst v0  }
0x25: {  	[tilespmem:$0x120] =	vst v0  }
0x26: {  	[tilespmem:$0x130] =	vst v0  }
0x27: {  	[tilespmem:$0x140] =	vst v0  }
0x28: {  	[tilespmem:$0x150] =	vst v0  }
0x29: {  	[tilespmem:$0x160] =	vst v0  }
0x2a: {  	[tilespmem:$0x170] =	vst v0  }
0x2b: {  	[tilespmem:$0x180] =	vst v0  }
0x2c: {  	[tilespmem:$0x190] =	vst v0  }
0x2d: {  	[tilespmem:$0x1A0] =	vst v0  }
0x2e: {  	[tilespmem:$0x1B0] =	vst v0  }
0x2f: {  	[tilespmem:$0x1C0] =	vst v0  }
0x30: {  	[tilespmem:$0x1D0] =	vst v0  }
0x31: {  	[tilespmem:$0x1E0] =	vst v0  }
0x32: {  	[tilespmem:$0x1F0] =	vst v0  }
0x33: {  	[tilespmem:$0x200] =	vst v0  }
0x34: {  	[tilespmem:$0x210] =	vst v0  }
0x35: {  	[tilespmem:$0x220] =	vst v0  }
0x36: {  	[tilespmem:$0x230] =	vst v0  }
0x37: {  	[tilespmem:$0x240] =	vst v0  }
0x38: {  	[tilespmem:$0x250] =	vst v0  }
0x39: {  	[tilespmem:$0x260] =	vst v0  }
0x3a: {  	[tilespmem:$0x270] =	vst v0  }
0x3b: {  	[spmem:s4] =	stream.linear.scatter [tilespmem:s3], [sflag:$0x2], $0x280, $0x38;
	[tilespmem:$0xD00] =	vst v63  }
0x3c: {  	_ =	swait.ge [sflag:s9], $0x280  }
0x3d: {  	[sflag:s9] =	ssyncset.done $0x0  }
0x3e: {  	[sflag:s9] =	ssyncadd.s32 $0xFFFFFD80  }
0x3f: {  	s0 =	sadd.s32 $0x0, s8;
	[bflag:$0x0] =	sbarrier.arrive $0xFFFF  }
0x40: {  	[tilespmem:s10], [sflag:$0x2] =	stream.linear.gather [hbm4b:s0+s3], $0x400, $0x38;
	[tilespmem:$0xD00] =	vst v63  }
0x41: {  	_ =	swait.ge [sflag:s9], $0x400  }
0x42: {  	[sflag:s9] =	ssyncset.done $0x0  }
0x43: {  	s30 =	sadd.s32 $0x0, s7;
	[sflag:s9] =	ssyncadd.s32 $0xFFFFFC00  }
0x44: {  	[tilespmem:s11], [sflag:$0x2] =	stream.linear.gather [hbm4b:s30+s3], $0x400, $0x38;
	[tilespmem:$0xD00] =	vst v63  }
0x45: {  	_ =	swait.ge [sflag:s9], $0x400  }
0x46: {  	[sflag:s9] =	ssyncset.done $0x0  }
0x47: {  	[sflag:s9] =	ssyncadd.s32 $0xFFFFFC00  }
0x48: {  	[spmem:s2] =	stream.indirect.scatter.add.f32 [tilespmem:s11], [sflag:$0x1], $0x1, s10, s12, $0xb8;
	[tilespmem:$0xD00] =	vst v63  }
0x49: {  	_ = 	snop  }
0x4a: {  	[spmem:s2] =	stream.indirect.scatter.add.f32 [tilespmem:s14], [sflag:$0x1], $0x1, s13, s12, $0xb8;
	[tilespmem:$0xD00] =	vst v63  }
0x4b: {  	_ = 	snop  }
0x4c: {  	[spmem:s2] =	stream.indirect.scatter.add.f32 [tilespmem:s16], [sflag:$0x1], $0x1, s15, s12, $0xb8;
	[tilespmem:$0xD00] =	vst v63  }
0x4d: {  	_ = 	snop  }
0x4e: {  	[spmem:s2] =	stream.indirect.scatter.add.f32 [tilespmem:s18], [sflag:$0x1], $0x1, s17, s12, $0xb8;
	[tilespmem:$0xD00] =	vst v63  }
0x4f: {  	_ = 	snop  }
0x50: {  	[spmem:s2] =	stream.indirect.scatter.add.f32 [tilespmem:s20], [sflag:$0x1], $0x1, s19, s12, $0xb8;
	[tilespmem:$0xD00] =	vst v63  }
0x51: {  	_ = 	snop  }
0x52: {  	[spmem:s2] =	stream.indirect.scatter.add.f32 [tilespmem:s22], [sflag:$0x1], $0x1, s21, s12, $0xb8;
	[tilespmem:$0xD00] =	vst v63  }
0x53: {  	_ = 	snop  }
0x54: {  	[spmem:s2] =	stream.indirect.scatter.add.f32 [tilespmem:s24], [sflag:$0x1], $0x1, s23, s12, $0xb8;
	[tilespmem:$0xD00] =	vst v63  }
0x55: {  	_ = 	snop  }
0x56: {  	[spmem:s2] =	stream.indirect.scatter.add.f32 [tilespmem:s26], [sflag:$0x1], $0x1, s25, s12, $0xb8;
	[tilespmem:$0xD00] =	vst v63  }
0x57: {  	_ =	swait.ge [sflag:s28], $0x80  }
0x58: {  	[sflag:s28] =	ssyncset.done $0x0  }
0x59: {  	[sflag:s28] =	ssyncadd.s32 $0xFFFFFF80  }
0x5a: {  	_ =	swait.ge [sflag:s28], $0x80  }
0x5b: {  	[sflag:s28] =	ssyncset.done $0x0  }
0x5c: {  	[sflag:s28] =	ssyncadd.s32 $0xFFFFFF80  }
0x5d: {  	_ =	swait.ge [sflag:s28], $0x80  }
0x5e: {  	[sflag:s28] =	ssyncset.done $0x0  }
0x5f: {  	[sflag:s28] =	ssyncadd.s32 $0xFFFFFF80  }
0x60: {  	_ =	swait.ge [sflag:s28], $0x80  }
0x61: {  	[sflag:s28] =	ssyncset.done $0x0  }
0x62: {  	[sflag:s28] =	ssyncadd.s32 $0xFFFFFF80  }
0x63: {  	_ =	swait.ge [sflag:s28], $0x80  }
0x64: {  	[sflag:s28] =	ssyncset.done $0x0  }
0x65: {  	[sflag:s28] =	ssyncadd.s32 $0xFFFFFF80  }
0x66: {  	_ =	swait.ge [sflag:s28], $0x80  }
0x67: {  	[sflag:s28] =	ssyncset.done $0x0  }
0x68: {  	[sflag:s28] =	ssyncadd.s32 $0xFFFFFF80  }
0x69: {  	_ =	swait.ge [sflag:s28], $0x80  }
0x6a: {  	[sflag:s28] =	ssyncset.done $0x0  }
0x6b: {  	[sflag:s28] =	ssyncadd.s32 $0xFFFFFF80  }
0x6c: {  	_ =	swait.ge [sflag:s28], $0x80  }
0x6d: {  	s1 =	simm.s32 $0x100;
	s0 =	simm.s32 $0x80;
	[sflag:s28] =	ssyncset.done $0x0  }
.LBB2_2:
0x6e: {  	s30 =	sadd.s32 s0, s8  }
0x6f: {  	[sflag:s28] =	ssyncadd.s32 $0xFFFFFF80;
	s5 =	smov.u32 s1;
	s29 =	sadd.s32 $0x80, s1  }
0x70: {  	[tilespmem:s10], [sflag:$0x2] =	stream.linear.gather [hbm4b:s30+s3], $0x400, $0x38;
	[tilespmem:$0xD00] =	vst v63  }
0x71: {  	p0 =	sne.s32 s1, $0x480;
	_ =	swait.ge [sflag:s9], $0x400  }
0x72: {  	[sflag:s9] =	ssyncset.done $0x0  }
0x73: {  	s1 =	sadd.s32 s0, s7;
	s0 =	smov.u32 s5;
	[sflag:s9] =	ssyncadd.s32 $0xFFFFFC00  }
0x74: {  	[tilespmem:s11], [sflag:$0x2] =	stream.linear.gather [hbm4b:s1+s3], $0x400, $0x38;
	[tilespmem:$0xD00] =	vst v63  }
0x75: {  	_ =	swait.ge [sflag:s9], $0x400  }
0x76: {  	[sflag:s9] =	ssyncset.done $0x0  }
0x77: {  	[sflag:s9] =	ssyncadd.s32 $0xFFFFFC00  }
0x78: {  	[spmem:s2] =	stream.indirect.scatter.add.f32 [tilespmem:s11], [sflag:$0x1], $0x1, s10, s12, $0xb8;
	[tilespmem:$0xD00] =	vst v63  }
0x79: {  	_ = 	snop  }
0x7a: {  	[spmem:s2] =	stream.indirect.scatter.add.f32 [tilespmem:s14], [sflag:$0x1], $0x1, s13, s12, $0xb8;
	[tilespmem:$0xD00] =	vst v63  }
0x7b: {  	_ = 	snop  }
0x7c: {  	[spmem:s2] =	stream.indirect.scatter.add.f32 [tilespmem:s16], [sflag:$0x1], $0x1, s15, s12, $0xb8;
	[tilespmem:$0xD00] =	vst v63  }
0x7d: {  	_ = 	snop  }
0x7e: {  	[spmem:s2] =	stream.indirect.scatter.add.f32 [tilespmem:s18], [sflag:$0x1], $0x1, s17, s12, $0xb8;
	[tilespmem:$0xD00] =	vst v63  }
0x7f: {  	_ = 	snop  }
0x80: {  	[spmem:s2] =	stream.indirect.scatter.add.f32 [tilespmem:s20], [sflag:$0x1], $0x1, s19, s12, $0xb8;
	[tilespmem:$0xD00] =	vst v63  }
0x81: {  	_ = 	snop  }
0x82: {  	[spmem:s2] =	stream.indirect.scatter.add.f32 [tilespmem:s22], [sflag:$0x1], $0x1, s21, s12, $0xb8;
	[tilespmem:$0xD00] =	vst v63  }
0x83: {  	_ = 	snop  }
0x84: {  	[spmem:s2] =	stream.indirect.scatter.add.f32 [tilespmem:s24], [sflag:$0x1], $0x1, s23, s12, $0xb8;
	[tilespmem:$0xD00] =	vst v63  }
0x85: {  	_ = 	snop  }
0x86: {  	[spmem:s2] =	stream.indirect.scatter.add.f32 [tilespmem:s26], [sflag:$0x1], $0x1, s25, s12, $0xb8;
	[tilespmem:$0xD00] =	vst v63  }
0x87: {  	_ =	swait.ge [sflag:s28], $0x80  }
0x88: {  	[sflag:s28] =	ssyncset.done $0x0  }
0x89: {  	[sflag:s28] =	ssyncadd.s32 $0xFFFFFF80  }
0x8a: {  	_ =	swait.ge [sflag:s28], $0x80  }
0x8b: {  	[sflag:s28] =	ssyncset.done $0x0  }
0x8c: {  	[sflag:s28] =	ssyncadd.s32 $0xFFFFFF80  }
0x8d: {  	_ =	swait.ge [sflag:s28], $0x80  }
0x8e: {  	[sflag:s28] =	ssyncset.done $0x0  }
0x8f: {  	[sflag:s28] =	ssyncadd.s32 $0xFFFFFF80  }
0x90: {  	_ =	swait.ge [sflag:s28], $0x80  }
0x91: {  	[sflag:s28] =	ssyncset.done $0x0  }
0x92: {  	[sflag:s28] =	ssyncadd.s32 $0xFFFFFF80  }
0x93: {  	_ =	swait.ge [sflag:s28], $0x80  }
0x94: {  	[sflag:s28] =	ssyncset.done $0x0  }
0x95: {  	[sflag:s28] =	ssyncadd.s32 $0xFFFFFF80  }
0x96: {  	_ =	swait.ge [sflag:s28], $0x80  }
0x97: {  	[sflag:s28] =	ssyncset.done $0x0  }
0x98: {  	[sflag:s28] =	ssyncadd.s32 $0xFFFFFF80  }
.Ltmp0:
0x99: {  	_ =	swait.ge [sflag:s28], $0x80;
	(pc) =	sbr.rel @p0 .LBB2_2-.Ltmp0, $4  }
0x9a: {  	[sflag:s28] =	ssyncset.done $0x0  }
0x9b: {  	[sflag:s28] =	ssyncadd.s32 $0xFFFFFF80  }
0x9c: {  	_ =	swait.ge [sflag:s28], $0x80  }
0x9d: {  	s1 =	smov.u32 s29;
	[sflag:s28] =	ssyncset.done $0x0  }
0x9e: {  	s1 =	sadd.s32 s0, s8;
	[sflag:s28] =	ssyncadd.s32 $0xFFFFFF80  }
0x9f: {  	[tilespmem:s10], [sflag:$0x2] =	stream.linear.gather [hbm4b:s1+s3], $0x400, $0x38;
	[tilespmem:$0xD00] =	vst v63  }
0xa0: {  	_ =	swait.ge [sflag:s9], $0x400  }
0xa1: {  	[sflag:s9] =	ssyncset.done $0x0  }
0xa2: {  	s29 =	sadd.s32 s0, s7;
	[sflag:s9] =	ssyncadd.s32 $0xFFFFFC00  }
0xa3: {  	[tilespmem:s11], [sflag:$0x2] =	stream.linear.gather [hbm4b:s29+s3], $0x400, $0x38;
	[tilespmem:$0xD00] =	vst v63  }
0xa4: {  	_ =	swait.ge [sflag:s9], $0x400  }
0xa5: {  	[sflag:s9] =	ssyncset.done $0x0  }
0xa6: {  	[sflag:s9] =	ssyncadd.s32 $0xFFFFFC00  }
0xa7: {  	[spmem:s2] =	stream.indirect.scatter.add.f32 [tilespmem:s11], [sflag:$0x1], $0x1, s10, s12, $0xb8;
	[tilespmem:$0xD00] =	vst v63  }
0xa8: {  	_ = 	snop  }
0xa9: {  	[spmem:s2] =	stream.indirect.scatter.add.f32 [tilespmem:s14], [sflag:$0x1], $0x1, s13, s12, $0xb8;
	[tilespmem:$0xD00] =	vst v63  }
0xaa: {  	_ = 	snop  }
0xab: {  	[spmem:s2] =	stream.indirect.scatter.add.f32 [tilespmem:s16], [sflag:$0x1], $0x1, s15, s12, $0xb8;
	[tilespmem:$0xD00] =	vst v63  }
0xac: {  	_ = 	snop  }
0xad: {  	[spmem:s2] =	stream.indirect.scatter.add.f32 [tilespmem:s18], [sflag:$0x1], $0x1, s17, s12, $0xb8;
	[tilespmem:$0xD00] =	vst v63  }
0xae: {  	_ = 	snop  }
0xaf: {  	[spmem:s2] =	stream.indirect.scatter.add.f32 [tilespmem:s20], [sflag:$0x1], $0x1, s19, s12, $0xb8;
	[tilespmem:$0xD00] =	vst v63  }
0xb0: {  	_ = 	snop  }
0xb1: {  	[spmem:s2] =	stream.indirect.scatter.add.f32 [tilespmem:s22], [sflag:$0x1], $0x1, s21, s12, $0xb8;
	[tilespmem:$0xD00] =	vst v63  }
0xb2: {  	_ = 	snop  }
0xb3: {  	[spmem:s2] =	stream.indirect.scatter.add.f32 [tilespmem:s24], [sflag:$0x1], $0x1, s23, s12, $0xb8;
	[tilespmem:$0xD00] =	vst v63  }
0xb4: {  	_ = 	snop  }
0xb5: {  	[spmem:s2] =	stream.indirect.scatter.add.f32 [tilespmem:s26], [sflag:$0x1], $0x1, s25, s12, $0xb8;
	[tilespmem:$0xD00] =	vst v63  }
0xb6: {  	_ =	swait.ge [sflag:s28], $0x80  }
0xb7: {  	[sflag:s28] =	ssyncset.done $0x0  }
0xb8: {  	[sflag:s28] =	ssyncadd.s32 $0xFFFFFF80  }
0xb9: {  	_ =	swait.ge [sflag:s28], $0x80  }
0xba: {  	[sflag:s28] =	ssyncset.done $0x0  }
0xbb: {  	[sflag:s28] =	ssyncadd.s32 $0xFFFFFF80  }
0xbc: {  	_ =	swait.ge [sflag:s28], $0x80  }
0xbd: {  	[sflag:s28] =	ssyncset.done $0x0  }
0xbe: {  	[sflag:s28] =	ssyncadd.s32 $0xFFFFFF80  }
0xbf: {  	_ =	swait.ge [sflag:s28], $0x80  }
0xc0: {  	[sflag:s28] =	ssyncset.done $0x0  }
0xc1: {  	[sflag:s28] =	ssyncadd.s32 $0xFFFFFF80  }
0xc2: {  	_ =	swait.ge [sflag:s28], $0x80  }
0xc3: {  	[sflag:s28] =	ssyncset.done $0x0  }
0xc4: {  	[sflag:s28] =	ssyncadd.s32 $0xFFFFFF80  }
0xc5: {  	_ =	swait.ge [sflag:s28], $0x80  }
0xc6: {  	[sflag:s28] =	ssyncset.done $0x0  }
0xc7: {  	[sflag:s28] =	ssyncadd.s32 $0xFFFFFF80  }
0xc8: {  	_ =	swait.ge [sflag:s28], $0x80  }
0xc9: {  	[sflag:s28] =	ssyncset.done $0x0  }
0xca: {  	[sflag:s28] =	ssyncadd.s32 $0xFFFFFF80  }
0xcb: {  	s30 =	stileid.u32;
	_ =	swait.ge [sflag:s28], $0x80  }
0xcc: {  	s31 =	sadd.s32 $0x1, s31;
	s0 =	sshll.u32 s30, $0x6;
	[sflag:s28] =	ssyncset.done $0x0  }
0xcd: {  	s1 =	sshrl.u32 s4, $0x3;
	s30 =	simm.s32 $0x10;
	[sflag:s28] =	ssyncadd.s32 $0xFFFFFF80  }
0xce: {  	p0 =	sne.s32 s31, s6;
	s0 =	sor.u32 $0x1C02, s0;
	[bflag:$0x0] =	sbarrier.arrive $0xFFFF  }
.Ltmp1:
0xcf: {  	s29 =	simm.s32 $0x20;
	s5 =	rddreg [dreg:$0x5];
	(pc) =	sbr.rel @p0 .LBB2_1-.Ltmp1, $4  }
0xd0: {  	[hbm:s5@s29], [sflag:s0] =	dma.strided [spmem:s1@s30], $0x50, s28, $0x10   }
0xd1: {  	_ =	swait.ge [sflag:s9], $0x50  }
0xd2: {  	[sflag:s9] =	ssyncset.done $0x0  }
0xd3: {  	[sflag:s9] =	ssyncadd.s32 $0xFFFFFFB0  }
0xd4: {  	_ =	sfence.sel $0x180000  }
0xd5: {  	[bflag:$0x0] =	sbarrier.arrive $0xFFFF  }
0xd6: {  	_ =	strace $0x90000047  }
0xd7: {  	s0 =	stileid.u32;
	[bflag:$0x2] =	sbarrier.arrive $0xFFFF  }
0xd8: {  	p0 =	sne.s32 s0, $0x0;
	s0 =	rddreg [dreg:$0x4]  }
0xd9: {  	s0 =	sadd.s32 @!p0 $0x100000, s0  }
0xda: {  	[sflag:s0] =	ssyncadd.tile.s32 @!p0 $0x1;
	_ =	shalt  }
.Lfunc_end2:
_tile_overlayer_lowered:
.L_overlay_start_2:
0xdb: {  	(tag) =	ssettag $0x2  }
0xdc: {  	s0 =	rddreg [dreg:$0x0];
	s2 =	stileid.u32  }
0xdd: {  	s1 =	rddreg [dreg:$0x1];
	p0 =	sne.s32 s2, $0x0  }
0xde: {  	s3 =	rddreg [dreg:$0x2];
	[bflag:$0x3] =	sbarrier.arrive $0xFFFF;
	s2 =	simm.s32 @!p0 $0x1C02  }
0xdf: {  	[timem:s3], [sflag:s2] =	dma.local @!p0 [hbm:s0], s1  }
0xe0: {  	s0 =	simm.s32 @!p0 $0x2  }
0xe1: {  	_ =	swait.ge @!p0 [sflag:s0], s1  }
0xe2: {  	s1 =	ssub.s32 @!p0 $0x0, s1;
	[sflag:s0] =	ssyncset.done @!p0 $0x0  }
0xe3: {  	[sflag:s0] =	ssyncadd.s32 @!p0 s1  }
0xe4: {  	[bflag:$0x3] =	sbarrier.arrive $0xFFFF  }
0xe5: {  	_ =	shalt  }

</sc_bundles>
